<compile_context>
chip_gen: v7x
topology: tpu7x:2x2x1
jax: 0.10.2.dev20260603
libtpu: 0.0.44.dev20260713+nightly
codegen_flags: <defaults>
</compile_context>

<pallas_src>
import jax
import jax.numpy as jnp
from jax import lax
from jax.experimental import pallas as pl
from jax.experimental.pallas import tpu as pltpu
from jax.experimental.pallas import tpu_sc as plsc

N = 10000
NP = 10240
E = 320000
EL = 16384
D_IN = 128
D_H = 128
D_OUT = 64

NC = 2
NS = 16
NW = NC * NS
RP = NP // NS

EP = 327680
EPT = EP // NW
CH = 128
NCH = EPT // CH

NH = NP // 2

PPT = EL // NW
PCH = 128
PNCH = PPT // PCH

_mesh = plsc.VectorSubcoreMesh(
    core_axis_name="c", subcore_axis_name="s", num_cores=NC, num_subcores=NS
)


def _wid():
    return lax.axis_index("s") * NC + lax.axis_index("c")


def _rbase():
    return pl.multiple_of(lax.axis_index("s") * RP, 8)


def _deg_body(dst_hbm, zeros_hbm, ones_hbm, deg_out, idx_v, ones_v, deg_sp, sem):
    c = lax.axis_index("c")
    rb = _rbase()
    w = _wid()
    pltpu.sync_copy(zeros_hbm.at[pl.ds(rb, RP)], deg_sp.at[pl.ds(rb, RP)])
    pltpu.sync_copy(ones_hbm, ones_v)
    pltpu.sync_copy(dst_hbm.at[w], idx_v)
    plsc.subcore_barrier()

    def body(j, carry):
        pltpu.sync_copy(ones_v, deg_sp.at[idx_v.at[j]], add=True)
        return carry

    lax.fori_loop(0, NCH, body, 0)
    plsc.subcore_barrier()
    pltpu.sync_copy(deg_sp.at[pl.ds(rb, RP)], deg_out.at[c, pl.ds(rb, RP)])


_deg_kernel = pl.kernel(
    _deg_body,
    out_type=jax.ShapeDtypeStruct((NC, NP, D_H), jnp.float32),
    mesh=_mesh,
    scratch_types=[
        pltpu.VMEM((NCH, CH), jnp.int32),
        pltpu.VMEM((CH, D_H), jnp.float32),
        pltpu.VMEM_SHARED((NP, D_H), jnp.float32),
        pltpu.SemaphoreType.DMA,
    ],
)


def _agg_body(hs_hbm, src_hbm, dst_hbm, zeros_hbm, acc_out,
              sidx_v, didx_v, rows0, acc_sp, gsem0):
    c = lax.axis_index("c")
    rb = _rbase()
    w = _wid()

    @pl.when(c == 0)
    def _():
        pltpu.sync_copy(hs_hbm.at[pl.ds(rb, RP)], acc_sp.at[pl.ds(rb, RP)])

    @pl.when(c != 0)
    def _():
        pltpu.sync_copy(zeros_hbm.at[pl.ds(rb, RP)], acc_sp.at[pl.ds(rb, RP)])

    pltpu.sync_copy(src_hbm.at[w], sidx_v)
    pltpu.sync_copy(dst_hbm.at[w], didx_v)
    plsc.subcore_barrier()

    def body(j, carry):
        pltpu.async_copy(hs_hbm.at[sidx_v.at[j]], rows0, gsem0).wait()
        pltpu.sync_copy(rows0, acc_sp.at[didx_v.at[j]], add=True)
        return carry

    lax.fori_loop(0, NCH, body, 0)
    plsc.subcore_barrier()
    pltpu.sync_copy(acc_sp.at[pl.ds(rb, RP)], acc_out.at[c, pl.ds(rb, RP)])


_agg_kernel = pl.kernel(
    _agg_body,
    out_type=jax.ShapeDtypeStruct((NC, NP, D_H), jnp.float32),
    mesh=_mesh,
    scratch_types=[
        pltpu.VMEM((NCH, CH), jnp.int32),
        pltpu.VMEM((NCH, CH), jnp.int32),
        pltpu.VMEM((CH, D_H), jnp.float32),
        pltpu.VMEM_SHARED((NP, D_H), jnp.float32),
        pltpu.SemaphoreType.DMA,
    ],
)


def _agg2_body(hs_hbm, src_hbm, dst_hbm, zeros_hbm, acc_out,
               sidx_v, didx_v, rows0, rows1, rows2, rows3, acc_sp,
               gsem0, gsem1, gsem2, gsem3):
    c = lax.axis_index("c")
    s = lax.axis_index("s")
    rb = pl.multiple_of(s * (NH // NS), 8)
    w = _wid()
    hp = NH // NS

    pltpu.sync_copy(zeros_hbm.at[pl.ds(rb, hp)], acc_sp.at[pl.ds(rb, hp)])
    pltpu.sync_copy(src_hbm.at[w], sidx_v)
    pltpu.sync_copy(dst_hbm.at[w], didx_v)
    plsc.subcore_barrier()

    def body(jj, carry):
        t = jj * 4
        g0 = pltpu.async_copy(hs_hbm.at[sidx_v.at[t]], rows0, gsem0)
        g1 = pltpu.async_copy(hs_hbm.at[sidx_v.at[t + 1]], rows1, gsem1)
        g2 = pltpu.async_copy(hs_hbm.at[sidx_v.at[t + 2]], rows2, gsem2)
        g3 = pltpu.async_copy(hs_hbm.at[sidx_v.at[t + 3]], rows3, gsem3)
        g0.wait()
        pltpu.sync_copy(rows0, acc_sp.at[didx_v.at[t]], add=True)
        g1.wait()
        pltpu.sync_copy(rows1, acc_sp.at[didx_v.at[t + 1]], add=True)
        g2.wait()
        pltpu.sync_copy(rows2, acc_sp.at[didx_v.at[t + 2]], add=True)
        g3.wait()
        pltpu.sync_copy(rows3, acc_sp.at[didx_v.at[t + 3]], add=True)
        return carry

    lax.fori_loop(0, NCH // 4, body, 0)
    plsc.subcore_barrier()
    pltpu.sync_copy(acc_sp.at[pl.ds(rb, hp)], acc_out.at[c, pl.ds(rb, hp)])


_agg2_kernel = pl.kernel(
    _agg2_body,
    out_type=jax.ShapeDtypeStruct((NC, NH, D_H), jnp.float32),
    mesh=_mesh,
    scratch_types=[
        pltpu.VMEM((NCH, CH), jnp.int32),
        pltpu.VMEM((NCH, CH), jnp.int32),
        pltpu.VMEM((CH, D_H), jnp.float32),
        pltpu.VMEM((CH, D_H), jnp.float32),
        pltpu.VMEM((CH, D_H), jnp.float32),
        pltpu.VMEM((CH, D_H), jnp.float32),
        pltpu.VMEM_SHARED((NH, D_H), jnp.float32),
        pltpu.SemaphoreType.DMA,
        pltpu.SemaphoreType.DMA,
        pltpu.SemaphoreType.DMA,
        pltpu.SemaphoreType.DMA,
    ],
)


def _pairs_body(z_hbm, sidx_hbm, didx_hbm, srows_out, drows_out,
                sidx_v, didx_v, sbuf, dbuf, sem0, sem1):
    w = _wid()
    pltpu.sync_copy(sidx_hbm.at[w], sidx_v)
    pltpu.sync_copy(didx_hbm.at[w], didx_v)

    def body(j, carry):
        ob = pl.multiple_of(w * PPT + j * PCH, 8)
        gs = pltpu.async_copy(z_hbm.at[sidx_v.at[j]], sbuf, sem0)
        gd = pltpu.async_copy(z_hbm.at[didx_v.at[j]], dbuf, sem1)
        gs.wait()
        ws = pltpu.async_copy(sbuf, srows_out.at[pl.ds(ob, PCH)], sem0)
        gd.wait()
        wd = pltpu.async_copy(dbuf, drows_out.at[pl.ds(ob, PCH)], sem1)
        ws.wait()
        wd.wait()
        return carry

    lax.fori_loop(0, PNCH, body, 0)


_pairs_kernel = pl.kernel(
    _pairs_body,
    out_type=[
        jax.ShapeDtypeStruct((EL, D_H), jnp.float32),
        jax.ShapeDtypeStruct((EL, D_H), jnp.float32),
    ],
    mesh=_mesh,
    scratch_types=[
        pltpu.VMEM((PNCH, PCH), jnp.int32),
        pltpu.VMEM((PNCH, PCH), jnp.int32),
        pltpu.VMEM((PCH, D_H), jnp.float32),
        pltpu.VMEM((PCH, D_H), jnp.float32),
        pltpu.SemaphoreType.DMA,
        pltpu.SemaphoreType.DMA,
    ],
)


_BR = 1024


DEGS = 8


def _dinv_block(degp):
    deg = degp[0, :, 0:1] + degp[1, :, 0:1] + 1.0
    return lax.rsqrt(deg)


def _tc_hs1_body(x_ref, w_ref, degp_ref, out_ref):
    h = jnp.dot(x_ref[...], w_ref[...], preferred_element_type=jnp.float32)
    out_ref[...] = h * _dinv_block(degp_ref[...])


def _tc_mid_body(acc_ref, degp_ref, b1_ref, w2_ref, out_ref):
    dinv = _dinv_block(degp_ref[...])
    z1 = jnp.maximum((acc_ref[0] + acc_ref[1]) * dinv + b1_ref[...], 0.0)
    v = jnp.dot(z1, w2_ref[...], preferred_element_type=jnp.float32) * dinv
    out_ref[0] = v
    out_ref[1] = jnp.concatenate(
        [jnp.zeros((_BR, D_OUT), jnp.float32), v[:, :D_OUT]], axis=1)


def _tc_z2_body(acc_ref, degp_ref, hself_ref, b2_ref, out_ref):
    dinv = _dinv_block(degp_ref[...])
    v = (acc_ref[0] + acc_ref[1] + hself_ref[...]) * dinv + b2_ref[...]
    out_ref[...] = jnp.concatenate(
        [v, jnp.zeros((_BR, D_H - D_OUT), jnp.float32)], axis=1)


def _tc_dot_body(s_ref, d_ref, out_ref):
    out_ref[...] = jnp.sum(s_ref[...] * d_ref[...], axis=1, keepdims=True)


def _degp_spec():
    return pl.BlockSpec((NC, _BR, DEGS), lambda i: (0, i, 0))


def _row_spec(d):
    return pl.BlockSpec((_BR, d), lambda i: (i, 0))


def _acc_spec(d):
    return pl.BlockSpec((NC, _BR, d), lambda i: (0, i, 0))


def _full_spec(shape):
    return pl.BlockSpec(shape, lambda i: tuple(0 for _ in shape))


_tc_hs1 = pl.pallas_call(
    _tc_hs1_body,
    grid=(NP // _BR,),
    in_specs=[_row_spec(D_IN), _full_spec((D_IN, D_H)), _degp_spec()],
    out_specs=_row_spec(D_H),
    out_shape=jax.ShapeDtypeStruct((NP, D_H), jnp.float32),
)

_tc_mid = pl.pallas_call(
    _tc_mid_body,
    grid=(NP // _BR,),
    in_specs=[_acc_spec(D_H), _degp_spec(), _full_spec((1, D_H)),
              _full_spec((D_H, D_H))],
    out_specs=pl.BlockSpec((NC, _BR, D_H), lambda i: (0, i, 0)),
    out_shape=jax.ShapeDtypeStruct((NC, NP, D_H), jnp.float32),
)

_tc_z2 = pl.pallas_call(
    _tc_z2_body,
    grid=(NP // _BR,),
    in_specs=[_acc_spec(D_OUT), _degp_spec(), _row_spec(D_OUT),
              _full_spec((1, D_OUT))],
    out_specs=_row_spec(D_H),
    out_shape=jax.ShapeDtypeStruct((NP, D_H), jnp.float32),
)

_DBR = 2048

_tc_dot = pl.pallas_call(
    _tc_dot_body,
    grid=(EL // _DBR,),
    in_specs=[pl.BlockSpec((_DBR, D_H), lambda i: (i, 0)),
              pl.BlockSpec((_DBR, D_H), lambda i: (i, 0))],
    out_specs=pl.BlockSpec((_DBR, 1), lambda i: (i, 0)),
    out_shape=jax.ShapeDtypeStruct((EL, 1), jnp.float32),
)


@jax.jit
def kernel(x, edge_index, edge_label_index, W1, b1, W2, b2):
    pad_idx = N + jnp.arange(EP - E, dtype=jnp.int32) % (NP - N)
    epad = jnp.stack([pad_idx, pad_idx])
    ei_p = jnp.concatenate([edge_index, epad], axis=1)
    src_r = ei_p[0].reshape(NW, NCH, CH)
    dst_r = ei_p[1].reshape(NW, NCH, CH)
    els_r = edge_label_index[0].reshape(NW, PNCH, PCH)
    eld_r = edge_label_index[1].reshape(NW, PNCH, PCH)

    xp = jnp.concatenate([x, jnp.zeros((NP - N, D_IN), x.dtype)], axis=0)
    w2p = jnp.concatenate(
        [W2, jnp.zeros((D_H, D_H - D_OUT), W2.dtype)], axis=1)
    b2p = jnp.concatenate([b2, jnp.zeros((D_H - D_OUT,), b2.dtype)])

    zeros_h = jnp.zeros((NP, D_H), jnp.float32)
    ones_ch = jnp.ones((CH, D_H), jnp.float32)

    degp = _deg_kernel(dst_r, zeros_h, ones_ch)
    degs = degp[:, :, :DEGS]

    hs1 = _tc_hs1(xp, W1, degs)
    acc1 = _agg_kernel(hs1, src_r, dst_r, zeros_h)
    hs2d = _tc_mid(acc1, degs, b1.reshape(1, D_H), w2p)
    g2 = (ei_p[0] + NP * (ei_p[1] & 1)).reshape(NW, NCH, CH)
    d2 = (ei_p[1] >> 1).reshape(NW, NCH, CH)
    zeros_half = jnp.zeros((NH, D_H), jnp.float32)
    acc2p = _agg2_kernel(hs2d.reshape(2 * NP, D_H), g2, d2, zeros_half)
    acc2 = acc2p.reshape(NC, NP, D_OUT)
    hs2self = hs2d[0, :, :D_OUT]
    z2 = _tc_z2(acc2, degs, hs2self, b2p[:D_OUT].reshape(1, D_OUT))

    srows, drows = _pairs_kernel(z2, els_r, eld_r)
    return _tc_dot(srows, drows).reshape(-1)

# --- scband reference (transcript-rebuilt; emitter-appended) ---
"""Pipeline reference for scband-gcn-12017318494615 (READ-ONLY COPY).

The authoritative reference and input builder live on the scoring server;
editing this copy changes nothing except your own understanding.
"""

import jax, jax.numpy as jnp
import numpy as np

N = 10000
E = 320000
EL = 16384
D_IN = 128
D_H = 128
D_OUT = 64


def setup_inputs(seed: int = 0) -> dict:
    key = jax.random.key(seed)
    ks = jax.random.split(key, 8)
    x = jax.random.normal(ks[0], (N, D_IN), dtype=jnp.float32)
    edge_index = jax.random.randint(ks[1], (2, E), 0, N, dtype=jnp.int32)
    edge_label_index = jax.random.randint(ks[2], (2, EL), 0, N, dtype=jnp.int32)
    W1 = jax.random.normal(ks[3], (D_IN, D_H), dtype=jnp.float32) * (1.0 / np.sqrt(D_IN))
    b1 = jnp.zeros((D_H,), dtype=jnp.float32)
    W2 = jax.random.normal(ks[4], (D_H, D_OUT), dtype=jnp.float32) * (1.0 / np.sqrt(D_H))
    b2 = jnp.zeros((D_OUT,), dtype=jnp.float32)
    return {"x": x, "edge_index": edge_index, "edge_label_index": edge_label_index,
            "W1": W1, "b1": b1, "W2": W2, "b2": b2}


def _gcn_conv(x, edge_index, W, b):
    # Faithful PyG GCNConv: add self-loops, symmetric normalization, linear (no bias in lin), sum-aggregate, add bias.
    loop = jnp.arange(N, dtype=edge_index.dtype)
    src = jnp.concatenate([edge_index[0], loop])
    dst = jnp.concatenate([edge_index[1], loop])
    h = x @ W
    deg = jnp.zeros((N,), dtype=h.dtype).at[dst].add(1.0)
    dinv = deg ** -0.5  # deg >= 1 due to self-loops
    norm = dinv[src] * dinv[dst]
    out = jnp.zeros((N, h.shape[1]), dtype=h.dtype).at[dst].add(norm[:, None] * h[src])
    return out + b


def reference(x, edge_index, edge_label_index, W1, b1, W2, b2):
    z = jax.nn.relu(_gcn_conv(x, edge_index, W1, b1))
    z = _gcn_conv(z, edge_index, W2, b2)
    s = edge_label_index[0]
    d = edge_label_index[1]
    return (z[s] * z[d]).sum(axis=-1).reshape(-1)

if __name__ == "__main__":
    import jax
    _d = setup_inputs()
    print(jax.jit(kernel)(*tuple(_d.values())))

</pallas_src>

<mosaic_0001>
#map = affine_map<(d0, d1) -> (0, 0)>
#map1 = affine_map<(d0, d1) -> (0, 0, 0)>
module attributes {stable_mosaic.version = 14 : i64} {
  func.func @_agg_body(%arg0: i32, %arg1: i32, %arg2: memref<10240x128xf32, #tpu.memory_space<hbm>>, %arg3: memref<32x80x128xi32, #tpu.memory_space<hbm>>, %arg4: memref<32x80x128xi32, #tpu.memory_space<hbm>>, %arg5: memref<10240x128xf32, #tpu.memory_space<hbm>>, %arg6: memref<2x10240x128xf32, #tpu.memory_space<hbm>>, %arg7: memref<80x128xi32, #tpu.memory_space<vmem>>, %arg8: memref<80x128xi32, #tpu.memory_space<vmem>>, %arg9: memref<128x128xf32, #tpu.memory_space<vmem>>, %arg10: memref<10240x128xf32, #tpu.memory_space<vmem_shared>>, %arg11: memref<!tpu.dma_semaphore, #tpu.memory_space<semaphore_mem>>) attributes {dimension_semantics = [#tpu.dimension_semantics<core_parallel>, #tpu.dimension_semantics<subcore_parallel>], iteration_bounds = array<i64: 2, 16>, scalar_prefetch = 0 : i64, scratch_operands = 5 : i64, tpu.core_type = #tpu.core_type<sc_vector_subcore>, window_params = [{transform_indices = #map}, {transform_indices = #map1}, {transform_indices = #map1}, {transform_indices = #map}, {transform_indices = #map1}]} {
    %mul3A = arith.constant 640 : i32
    %mul3A_0 = arith.muli %arg1, %mul3A : i32
    %multiple_of3A = tpu.assume_multiple %mul3A_0, 8 : i32
    %mul3A_1 = arith.constant 2 : i32
    %mul3A_2 = arith.muli %arg1, %mul3A_1 : i32
    %add3A = arith.addi %mul3A_2, %arg0 : i32
    %eq3A = arith.constant 0 : i32
    %eq3A_3 = arith.cmpi eq, %arg0, %eq3A : i32
    %convert_element_type3A = arith.extui %eq3A_3 : i1 to i32
    %cond3A = arith.constant 0 : i32
    %cond3A_4 = arith.cmpi ne, %convert_element_type3A, %cond3A : i32
    scf.if %cond3A_4 {
      "tpu.region"() ({
        %run_scoped3A = tpu.sem_alloc : memref<!tpu.dma_semaphore, #tpu.memory_space<semaphore_mem>>
        %dma_start3A = arith.constant 0 : i32
        %dma_start3A_15 = tpu.memref_slice %arg10[%multiple_of3A, %dma_start3A] : memref<10240x128xf32, #tpu.memory_space<vmem_shared>> -> memref<640x128xf32, #tpu.memory_space<vmem_shared>>
        %dma_start3A_16 = arith.constant 0 : i32
        %dma_start3A_17 = tpu.memref_slice %arg2[%multiple_of3A, %dma_start3A_16] : memref<10240x128xf32, #tpu.memory_space<hbm>> -> memref<640x128xf32, #tpu.memory_space<hbm>>
        tpu.enqueue_dma source(%dma_start3A_17 : memref<640x128xf32, #tpu.memory_space<hbm>>) target(%dma_start3A_15 : memref<640x128xf32, #tpu.memory_space<vmem_shared>>) target_semaphore(%run_scoped3A : memref<!tpu.dma_semaphore, #tpu.memory_space<semaphore_mem>>)
        %dma_wait3A = arith.constant 0 : i32
        %dma_wait3A_18 = tpu.memref_slice %arg10[%multiple_of3A, %dma_wait3A] : memref<10240x128xf32, #tpu.memory_space<vmem_shared>> -> memref<640x128xf32, #tpu.memory_space<vmem_shared>>
        %dma_wait3A_19 = arith.constant 0 : i32
        %dma_wait3A_20 = tpu.memref_slice %arg2[%multiple_of3A, %dma_wait3A_19] : memref<10240x128xf32, #tpu.memory_space<hbm>> -> memref<640x128xf32, #tpu.memory_space<hbm>>
        tpu.wait_dma2 semaphore(%run_scoped3A : memref<!tpu.dma_semaphore, #tpu.memory_space<semaphore_mem>>) src(%dma_wait3A_20 : memref<640x128xf32, #tpu.memory_space<hbm>>) dst(%dma_wait3A_18 : memref<640x128xf32, #tpu.memory_space<vmem_shared>>)
        tpu.yield
      }) : () -> ()
    } else {
    }
    %ne3A = arith.constant 0 : i32
    %ne3A_5 = arith.cmpi ne, %arg0, %ne3A : i32
    %convert_element_type3A_6 = arith.extui %ne3A_5 : i1 to i32
    %cond3A_7 = arith.constant 0 : i32
    %cond3A_8 = arith.cmpi ne, %convert_element_type3A_6, %cond3A_7 : i32
    scf.if %cond3A_8 {
      "tpu.region"() ({
        %run_scoped3A = tpu.sem_alloc : memref<!tpu.dma_semaphore, #tpu.memory_space<semaphore_mem>>
        %dma_start3A = arith.constant 0 : i32
        %dma_start3A_15 = tpu.memref_slice %arg10[%multiple_of3A, %dma_start3A] : memref<10240x128xf32, #tpu.memory_space<vmem_shared>> -> memref<640x128xf32, #tpu.memory_space<vmem_shared>>
        %dma_start3A_16 = arith.constant 0 : i32
        %dma_start3A_17 = tpu.memref_slice %arg5[%multiple_of3A, %dma_start3A_16] : memref<10240x128xf32, #tpu.memory_space<hbm>> -> memref<640x128xf32, #tpu.memory_space<hbm>>
        tpu.enqueue_dma source(%dma_start3A_17 : memref<640x128xf32, #tpu.memory_space<hbm>>) target(%dma_start3A_15 : memref<640x128xf32, #tpu.memory_space<vmem_shared>>) target_semaphore(%run_scoped3A : memref<!tpu.dma_semaphore, #tpu.memory_space<semaphore_mem>>)
        %dma_wait3A = arith.constant 0 : i32
        %dma_wait3A_18 = tpu.memref_slice %arg10[%multiple_of3A, %dma_wait3A] : memref<10240x128xf32, #tpu.memory_space<vmem_shared>> -> memref<640x128xf32, #tpu.memory_space<vmem_shared>>
        %dma_wait3A_19 = arith.constant 0 : i32
        %dma_wait3A_20 = tpu.memref_slice %arg5[%multiple_of3A, %dma_wait3A_19] : memref<10240x128xf32, #tpu.memory_space<hbm>> -> memref<640x128xf32, #tpu.memory_space<hbm>>
        tpu.wait_dma2 semaphore(%run_scoped3A : memref<!tpu.dma_semaphore, #tpu.memory_space<semaphore_mem>>) src(%dma_wait3A_20 : memref<640x128xf32, #tpu.memory_space<hbm>>) dst(%dma_wait3A_18 : memref<640x128xf32, #tpu.memory_space<vmem_shared>>)
        tpu.yield
      }) : () -> ()
    } else {
    }
    "tpu.region"() ({
      %run_scoped3A = tpu.sem_alloc : memref<!tpu.dma_semaphore, #tpu.memory_space<semaphore_mem>>
      %dma_start3A = arith.constant 0 : i32
      %dma_start3A_15 = arith.constant 0 : i32
      %dma_start3A_16 = tpu.memref_slice %arg3[%add3A, %dma_start3A, %dma_start3A_15] : memref<32x80x128xi32, #tpu.memory_space<hbm>> -> memref<1x80x128xi32, #tpu.memory_space<hbm>>
      %dma_start3A_17 = tpu.memref_squeeze %dma_start3A_16 : memref<1x80x128xi32, #tpu.memory_space<hbm>> -> memref<80x128xi32, #tpu.memory_space<hbm>>
      %dma_start3A_18 = arith.constant 0 : i32
      %dma_start3A_19 = arith.constant 0 : i32
      %dma_start3A_20 = tpu.memref_slice %arg3[%add3A, %dma_start3A_18, %dma_start3A_19] : memref<32x80x128xi32, #tpu.memory_space<hbm>> -> memref<1x80x128xi32, #tpu.memory_space<hbm>>
      %dma_start3A_21 = tpu.memref_squeeze %dma_start3A_20 : memref<1x80x128xi32, #tpu.memory_space<hbm>> -> memref<80x128xi32, #tpu.memory_space<hbm>>
      tpu.enqueue_dma source(%dma_start3A_21 : memref<80x128xi32, #tpu.memory_space<hbm>>) target(%arg7 : memref<80x128xi32, #tpu.memory_space<vmem>>) target_semaphore(%run_scoped3A : memref<!tpu.dma_semaphore, #tpu.memory_space<semaphore_mem>>)
      %dma_wait3A = arith.constant 0 : i32
      %dma_wait3A_22 = arith.constant 0 : i32
      %dma_wait3A_23 = tpu.memref_slice %arg3[%add3A, %dma_wait3A, %dma_wait3A_22] : memref<32x80x128xi32, #tpu.memory_space<hbm>> -> memref<1x80x128xi32, #tpu.memory_space<hbm>>
      %dma_wait3A_24 = tpu.memref_squeeze %dma_wait3A_23 : memref<1x80x128xi32, #tpu.memory_space<hbm>> -> memref<80x128xi32, #tpu.memory_space<hbm>>
      %dma_wait3A_25 = arith.constant 0 : i32
      %dma_wait3A_26 = arith.constant 0 : i32
      %dma_wait3A_27 = tpu.memref_slice %arg3[%add3A, %dma_wait3A_25, %dma_wait3A_26] : memref<32x80x128xi32, #tpu.memory_space<hbm>> -> memref<1x80x128xi32, #tpu.memory_space<hbm>>
      %dma_wait3A_28 = tpu.memref_squeeze %dma_wait3A_27 : memref<1x80x128xi32, #tpu.memory_space<hbm>> -> memref<80x128xi32, #tpu.memory_space<hbm>>
      tpu.wait_dma2 semaphore(%run_scoped3A : memref<!tpu.dma_semaphore, #tpu.memory_space<semaphore_mem>>) src(%dma_wait3A_28 : memref<80x128xi32, #tpu.memory_space<hbm>>) dst(%arg7 : memref<80x128xi32, #tpu.memory_space<vmem>>)
      tpu.yield
    }) : () -> ()
    "tpu.region"() ({
      %run_scoped3A = tpu.sem_alloc : memref<!tpu.dma_semaphore, #tpu.memory_space<semaphore_mem>>
      %dma_start3A = arith.constant 0 : i32
      %dma_start3A_15 = arith.constant 0 : i32
      %dma_start3A_16 = tpu.memref_slice %arg4[%add3A, %dma_start3A, %dma_start3A_15] : memref<32x80x128xi32, #tpu.memory_space<hbm>> -> memref<1x80x128xi32, #tpu.memory_space<hbm>>
      %dma_start3A_17 = tpu.memref_squeeze %dma_start3A_16 : memref<1x80x128xi32, #tpu.memory_space<hbm>> -> memref<80x128xi32, #tpu.memory_space<hbm>>
      %dma_start3A_18 = arith.constant 0 : i32
      %dma_start3A_19 = arith.constant 0 : i32
      %dma_start3A_20 = tpu.memref_slice %arg4[%add3A, %dma_start3A_18, %dma_start3A_19] : memref<32x80x128xi32, #tpu.memory_space<hbm>> -> memref<1x80x128xi32, #tpu.memory_space<hbm>>
      %dma_start3A_21 = tpu.memref_squeeze %dma_start3A_20 : memref<1x80x128xi32, #tpu.memory_space<hbm>> -> memref<80x128xi32, #tpu.memory_space<hbm>>
      tpu.enqueue_dma source(%dma_start3A_21 : memref<80x128xi32, #tpu.memory_space<hbm>>) target(%arg8 : memref<80x128xi32, #tpu.memory_space<vmem>>) target_semaphore(%run_scoped3A : memref<!tpu.dma_semaphore, #tpu.memory_space<semaphore_mem>>)
      %dma_wait3A = arith.constant 0 : i32
      %dma_wait3A_22 = arith.constant 0 : i32
      %dma_wait3A_23 = tpu.memref_slice %arg4[%add3A, %dma_wait3A, %dma_wait3A_22] : memref<32x80x128xi32, #tpu.memory_space<hbm>> -> memref<1x80x128xi32, #tpu.memory_space<hbm>>
      %dma_wait3A_24 = tpu.memref_squeeze %dma_wait3A_23 : memref<1x80x128xi32, #tpu.memory_space<hbm>> -> memref<80x128xi32, #tpu.memory_space<hbm>>
      %dma_wait3A_25 = arith.constant 0 : i32
      %dma_wait3A_26 = arith.constant 0 : i32
      %dma_wait3A_27 = tpu.memref_slice %arg4[%add3A, %dma_wait3A_25, %dma_wait3A_26] : memref<32x80x128xi32, #tpu.memory_space<hbm>> -> memref<1x80x128xi32, #tpu.memory_space<hbm>>
      %dma_wait3A_28 = tpu.memref_squeeze %dma_wait3A_27 : memref<1x80x128xi32, #tpu.memory_space<hbm>> -> memref<80x128xi32, #tpu.memory_space<hbm>>
      tpu.wait_dma2 semaphore(%run_scoped3A : memref<!tpu.dma_semaphore, #tpu.memory_space<semaphore_mem>>) src(%dma_wait3A_28 : memref<80x128xi32, #tpu.memory_space<hbm>>) dst(%arg8 : memref<80x128xi32, #tpu.memory_space<vmem>>)
      tpu.yield
    }) : () -> ()
    %barrier3A = arith.constant 0 : index
    tpu.barrier barrier_id(%barrier3A)
    %scan3A = arith.constant 0 : i32
    %scan3A_9 = arith.constant 0 : i32
    %scan3A_10 = arith.constant 80 : i32
    %scan3A_11 = arith.addi %scan3A_9, %scan3A_10 : i32
    %scan3A_12 = arith.constant 1 : i32
    scf.for %scan3A_15 = %scan3A_9 to %scan3A_11 step %scan3A_12  : i32 {
      %dma_start3A = arith.constant 0 : i32
      %dma_start3A_16 = tpu.memref_slice %arg7[%scan3A_15, %dma_start3A] : memref<80x128xi32, #tpu.memory_space<vmem>> -> memref<1x128xi32, #tpu.memory_space<vmem>>
      %dma_start3A_17 = tpu.memref_squeeze %dma_start3A_16 : memref<1x128xi32, #tpu.memory_space<vmem>> -> memref<128xi32, #tpu.memory_space<vmem>>
      %dma_start3A_18 = arith.constant 0 : i32
      %dma_start3A_19 = arith.constant 0 : i32
      %dma_start3A_20 = tpu.memref_slice %arg2[%dma_start3A_18, %dma_start3A_19] : memref<10240x128xf32, #tpu.memory_space<hbm>> -> memref<10240x128xf32, #tpu.memory_space<hbm>>
      tpu.enqueue_indirect_dma source(%dma_start3A_20 : memref<10240x128xf32, #tpu.memory_space<hbm>>) target(%arg9 : memref<128x128xf32, #tpu.memory_space<vmem>>) offsets(%dma_start3A_17 : memref<128xi32, #tpu.memory_space<vmem>>) semaphore(%arg11 : memref<!tpu.dma_semaphore, #tpu.memory_space<semaphore_mem>>)
      %dma_wait3A = arith.constant 0 : i32
      %dma_wait3A_21 = tpu.memref_slice %arg7[%scan3A_15, %dma_wait3A] : memref<80x128xi32, #tpu.memory_space<vmem>> -> memref<1x128xi32, #tpu.memory_space<vmem>>
      %dma_wait3A_22 = tpu.memref_squeeze %dma_wait3A_21 : memref<1x128xi32, #tpu.memory_space<vmem>> -> memref<128xi32, #tpu.memory_space<vmem>>
      %dma_wait3A_23 = arith.constant 0 : i32
      %dma_wait3A_24 = arith.constant 0 : i32
      %dma_wait3A_25 = tpu.memref_slice %arg2[%dma_wait3A_23, %dma_wait3A_24] : memref<10240x128xf32, #tpu.memory_space<hbm>> -> memref<10240x128xf32, #tpu.memory_space<hbm>>
      tpu.wait_indirect_dma semaphore(%arg11 : memref<!tpu.dma_semaphore, #tpu.memory_space<semaphore_mem>>) src(%dma_wait3A_25 : memref<10240x128xf32, #tpu.memory_space<hbm>>) dst(%arg9 : memref<128x128xf32, #tpu.memory_space<vmem>>)
      "tpu.region"() ({
        %run_scoped3A = tpu.sem_alloc : memref<!tpu.dma_semaphore, #tpu.memory_space<semaphore_mem>>
        %dma_start3A_26 = arith.constant 0 : i32
        %dma_start3A_27 = tpu.memref_slice %arg8[%scan3A_15, %dma_start3A_26] : memref<80x128xi32, #tpu.memory_space<vmem>> -> memref<1x128xi32, #tpu.memory_space<vmem>>
        %dma_start3A_28 = tpu.memref_squeeze %dma_start3A_27 : memref<1x128xi32, #tpu.memory_space<vmem>> -> memref<128xi32, #tpu.memory_space<vmem>>
        %dma_start3A_29 = arith.constant 0 : i32
        %dma_start3A_30 = arith.constant 0 : i32
        %dma_start3A_31 = tpu.memref_slice %arg10[%dma_start3A_29, %dma_start3A_30] : memref<10240x128xf32, #tpu.memory_space<vmem_shared>> -> memref<10240x128xf32, #tpu.memory_space<vmem_shared>>
        tpu.enqueue_indirect_dma source(%arg9 : memref<128x128xf32, #tpu.memory_space<vmem>>) target(%dma_start3A_31 : memref<10240x128xf32, #tpu.memory_space<vmem_shared>>) offsets(%dma_start3A_28 : memref<128xi32, #tpu.memory_space<vmem>>) semaphore(%run_scoped3A : memref<!tpu.dma_semaphore, #tpu.memory_space<semaphore_mem>>) {add = true}
        %dma_wait3A_32 = arith.constant 0 : i32
        %dma_wait3A_33 = tpu.memref_slice %arg8[%scan3A_15, %dma_wait3A_32] : memref<80x128xi32, #tpu.memory_space<vmem>> -> memref<1x128xi32, #tpu.memory_space<vmem>>
        %dma_wait3A_34 = tpu.memref_squeeze %dma_wait3A_33 : memref<1x128xi32, #tpu.memory_space<vmem>> -> memref<128xi32, #tpu.memory_space<vmem>>
        %dma_wait3A_35 = arith.constant 0 : i32
        %dma_wait3A_36 = arith.constant 0 : i32
        %dma_wait3A_37 = tpu.memref_slice %arg10[%dma_wait3A_35, %dma_wait3A_36] : memref<10240x128xf32, #tpu.memory_space<vmem_shared>> -> memref<10240x128xf32, #tpu.memory_space<vmem_shared>>
        tpu.wait_indirect_dma semaphore(%run_scoped3A : memref<!tpu.dma_semaphore, #tpu.memory_space<semaphore_mem>>) src(%arg9 : memref<128x128xf32, #tpu.memory_space<vmem>>) dst(%dma_wait3A_37 : memref<10240x128xf32, #tpu.memory_space<vmem_shared>>)
        tpu.yield
      }) : () -> ()
    }
    %scan3A_13 = arith.constant 80 : i32
    %barrier3A_14 = arith.constant 0 : index
    tpu.barrier barrier_id(%barrier3A_14)
    "tpu.region"() ({
      %run_scoped3A = tpu.sem_alloc : memref<!tpu.dma_semaphore, #tpu.memory_space<semaphore_mem>>
      %dma_start3A = arith.constant 0 : i32
      %dma_start3A_15 = tpu.memref_slice %arg6[%arg0, %multiple_of3A, %dma_start3A] : memref<2x10240x128xf32, #tpu.memory_space<hbm>> -> memref<1x640x128xf32, #tpu.memory_space<hbm>>
      %dma_start3A_16 = tpu.memref_squeeze %dma_start3A_15 : memref<1x640x128xf32, #tpu.memory_space<hbm>> -> memref<640x128xf32, #tpu.memory_space<hbm>>
      %dma_start3A_17 = arith.constant 0 : i32
      %dma_start3A_18 = tpu.memref_slice %arg10[%multiple_of3A, %dma_start3A_17] : memref<10240x128xf32, #tpu.memory_space<vmem_shared>> -> memref<640x128xf32, #tpu.memory_space<vmem_shared>>
      tpu.enqueue_dma source(%dma_start3A_18 : memref<640x128xf32, #tpu.memory_space<vmem_shared>>) target(%dma_start3A_16 : memref<640x128xf32, #tpu.memory_space<hbm>>) target_semaphore(%run_scoped3A : memref<!tpu.dma_semaphore, #tpu.memory_space<semaphore_mem>>)
      %dma_wait3A = arith.constant 0 : i32
      %dma_wait3A_19 = tpu.memref_slice %arg6[%arg0, %multiple_of3A, %dma_wait3A] : memref<2x10240x128xf32, #tpu.memory_space<hbm>> -> memref<1x640x128xf32, #tpu.memory_space<hbm>>
      %dma_wait3A_20 = tpu.memref_squeeze %dma_wait3A_19 : memref<1x640x128xf32, #tpu.memory_space<hbm>> -> memref<640x128xf32, #tpu.memory_space<hbm>>
      %dma_wait3A_21 = arith.constant 0 : i32
      %dma_wait3A_22 = tpu.memref_slice %arg10[%multiple_of3A, %dma_wait3A_21] : memref<10240x128xf32, #tpu.memory_space<vmem_shared>> -> memref<640x128xf32, #tpu.memory_space<vmem_shared>>
      tpu.wait_dma2 semaphore(%run_scoped3A : memref<!tpu.dma_semaphore, #tpu.memory_space<semaphore_mem>>) src(%dma_wait3A_22 : memref<640x128xf32, #tpu.memory_space<vmem_shared>>) dst(%dma_wait3A_20 : memref<640x128xf32, #tpu.memory_space<hbm>>)
      tpu.yield
    }) : () -> ()
    return
  }
}

#map = affine_map<(d0, d1) -> (0, 0, 0)>
#map1 = affine_map<(d0, d1) -> (0, 0)>
module attributes {stable_mosaic.version = 14 : i64} {
  func.func @_deg_body(%arg0: i32, %arg1: i32, %arg2: memref<32x80x128xi32, #tpu.memory_space<hbm>>, %arg3: memref<10240x128xf32, #tpu.memory_space<hbm>>, %arg4: memref<128x128xf32, #tpu.memory_space<hbm>>, %arg5: memref<2x10240x128xf32, #tpu.memory_space<hbm>>, %arg6: memref<80x128xi32, #tpu.memory_space<vmem>>, %arg7: memref<128x128xf32, #tpu.memory_space<vmem>>, %arg8: memref<10240x128xf32, #tpu.memory_space<vmem_shared>>, %arg9: memref<!tpu.dma_semaphore, #tpu.memory_space<semaphore_mem>>) attributes {dimension_semantics = [#tpu.dimension_semantics<core_parallel>, #tpu.dimension_semantics<subcore_parallel>], iteration_bounds = array<i64: 2, 16>, scalar_prefetch = 0 : i64, scratch_operands = 4 : i64, tpu.core_type = #tpu.core_type<sc_vector_subcore>, window_params = [{transform_indices = #map}, {transform_indices = #map1}, {transform_indices = #map1}, {transform_indices = #map}]} {
    %mul3A = arith.constant 640 : i32
    %mul3A_0 = arith.muli %arg1, %mul3A : i32
    %multiple_of3A = tpu.assume_multiple %mul3A_0, 8 : i32
    %mul3A_1 = arith.constant 2 : i32
    %mul3A_2 = arith.muli %arg1, %mul3A_1 : i32
    %add3A = arith.addi %mul3A_2, %arg0 : i32
    "tpu.region"() ({
      %run_scoped3A = tpu.sem_alloc : memref<!tpu.dma_semaphore, #tpu.memory_space<semaphore_mem>>
      %dma_start3A = arith.constant 0 : i32
      %dma_start3A_9 = tpu.memref_slice %arg8[%multiple_of3A, %dma_start3A] : memref<10240x128xf32, #tpu.memory_space<vmem_shared>> -> memref<640x128xf32, #tpu.memory_space<vmem_shared>>
      %dma_start3A_10 = arith.constant 0 : i32
      %dma_start3A_11 = tpu.memref_slice %arg3[%multiple_of3A, %dma_start3A_10] : memref<10240x128xf32, #tpu.memory_space<hbm>> -> memref<640x128xf32, #tpu.memory_space<hbm>>
      tpu.enqueue_dma source(%dma_start3A_11 : memref<640x128xf32, #tpu.memory_space<hbm>>) target(%dma_start3A_9 : memref<640x128xf32, #tpu.memory_space<vmem_shared>>) target_semaphore(%run_scoped3A : memref<!tpu.dma_semaphore, #tpu.memory_space<semaphore_mem>>)
      %dma_wait3A = arith.constant 0 : i32
      %dma_wait3A_12 = tpu.memref_slice %arg8[%multiple_of3A, %dma_wait3A] : memref<10240x128xf32, #tpu.memory_space<vmem_shared>> -> memref<640x128xf32, #tpu.memory_space<vmem_shared>>
      %dma_wait3A_13 = arith.constant 0 : i32
      %dma_wait3A_14 = tpu.memref_slice %arg3[%multiple_of3A, %dma_wait3A_13] : memref<10240x128xf32, #tpu.memory_space<hbm>> -> memref<640x128xf32, #tpu.memory_space<hbm>>
      tpu.wait_dma2 semaphore(%run_scoped3A : memref<!tpu.dma_semaphore, #tpu.memory_space<semaphore_mem>>) src(%dma_wait3A_14 : memref<640x128xf32, #tpu.memory_space<hbm>>) dst(%dma_wait3A_12 : memref<640x128xf32, #tpu.memory_space<vmem_shared>>)
      tpu.yield
    }) : () -> ()
    "tpu.region"() ({
      %run_scoped3A = tpu.sem_alloc : memref<!tpu.dma_semaphore, #tpu.memory_space<semaphore_mem>>
      tpu.enqueue_dma source(%arg4 : memref<128x128xf32, #tpu.memory_space<hbm>>) target(%arg7 : memref<128x128xf32, #tpu.memory_space<vmem>>) target_semaphore(%run_scoped3A : memref<!tpu.dma_semaphore, #tpu.memory_space<semaphore_mem>>)
      tpu.wait_dma2 semaphore(%run_scoped3A : memref<!tpu.dma_semaphore, #tpu.memory_space<semaphore_mem>>) src(%arg4 : memref<128x128xf32, #tpu.memory_space<hbm>>) dst(%arg7 : memref<128x128xf32, #tpu.memory_space<vmem>>)
      tpu.yield
    }) : () -> ()
    "tpu.region"() ({
      %run_scoped3A = tpu.sem_alloc : memref<!tpu.dma_semaphore, #tpu.memory_space<semaphore_mem>>
      %dma_start3A = arith.constant 0 : i32
      %dma_start3A_9 = arith.constant 0 : i32
      %dma_start3A_10 = tpu.memref_slice %arg2[%add3A, %dma_start3A, %dma_start3A_9] : memref<32x80x128xi32, #tpu.memory_space<hbm>> -> memref<1x80x128xi32, #tpu.memory_space<hbm>>
      %dma_start3A_11 = tpu.memref_squeeze %dma_start3A_10 : memref<1x80x128xi32, #tpu.memory_space<hbm>> -> memref<80x128xi32, #tpu.memory_space<hbm>>
      %dma_start3A_12 = arith.constant 0 : i32
      %dma_start3A_13 = arith.constant 0 : i32
      %dma_start3A_14 = tpu.memref_slice %arg2[%add3A, %dma_start3A_12, %dma_start3A_13] : memref<32x80x128xi32, #tpu.memory_space<hbm>> -> memref<1x80x128xi32, #tpu.memory_space<hbm>>
      %dma_start3A_15 = tpu.memref_squeeze %dma_start3A_14 : memref<1x80x128xi32, #tpu.memory_space<hbm>> -> memref<80x128xi32, #tpu.memory_space<hbm>>
      tpu.enqueue_dma source(%dma_start3A_15 : memref<80x128xi32, #tpu.memory_space<hbm>>) target(%arg6 : memref<80x128xi32, #tpu.memory_space<vmem>>) target_semaphore(%run_scoped3A : memref<!tpu.dma_semaphore, #tpu.memory_space<semaphore_mem>>)
      %dma_wait3A = arith.constant 0 : i32
      %dma_wait3A_16 = arith.constant 0 : i32
      %dma_wait3A_17 = tpu.memref_slice %arg2[%add3A, %dma_wait3A, %dma_wait3A_16] : memref<32x80x128xi32, #tpu.memory_space<hbm>> -> memref<1x80x128xi32, #tpu.memory_space<hbm>>
      %dma_wait3A_18 = tpu.memref_squeeze %dma_wait3A_17 : memref<1x80x128xi32, #tpu.memory_space<hbm>> -> memref<80x128xi32, #tpu.memory_space<hbm>>
      %dma_wait3A_19 = arith.constant 0 : i32
      %dma_wait3A_20 = arith.constant 0 : i32
      %dma_wait3A_21 = tpu.memref_slice %arg2[%add3A, %dma_wait3A_19, %dma_wait3A_20] : memref<32x80x128xi32, #tpu.memory_space<hbm>> -> memref<1x80x128xi32, #tpu.memory_space<hbm>>
      %dma_wait3A_22 = tpu.memref_squeeze %dma_wait3A_21 : memref<1x80x128xi32, #tpu.memory_space<hbm>> -> memref<80x128xi32, #tpu.memory_space<hbm>>
      tpu.wait_dma2 semaphore(%run_scoped3A : memref<!tpu.dma_semaphore, #tpu.memory_space<semaphore_mem>>) src(%dma_wait3A_22 : memref<80x128xi32, #tpu.memory_space<hbm>>) dst(%arg6 : memref<80x128xi32, #tpu.memory_space<vmem>>)
      tpu.yield
    }) : () -> ()
    %barrier3A = arith.constant 0 : index
    tpu.barrier barrier_id(%barrier3A)
    %scan3A = arith.constant 0 : i32
    %scan3A_3 = arith.constant 0 : i32
    %scan3A_4 = arith.constant 80 : i32
    %scan3A_5 = arith.addi %scan3A_3, %scan3A_4 : i32
    %scan3A_6 = arith.constant 1 : i32
    scf.for %scan3A_9 = %scan3A_3 to %scan3A_5 step %scan3A_6  : i32 {
      "tpu.region"() ({
        %run_scoped3A = tpu.sem_alloc : memref<!tpu.dma_semaphore, #tpu.memory_space<semaphore_mem>>
        %dma_start3A = arith.constant 0 : i32
        %dma_start3A_10 = tpu.memref_slice %arg6[%scan3A_9, %dma_start3A] : memref<80x128xi32, #tpu.memory_space<vmem>> -> memref<1x128xi32, #tpu.memory_space<vmem>>
        %dma_start3A_11 = tpu.memref_squeeze %dma_start3A_10 : memref<1x128xi32, #tpu.memory_space<vmem>> -> memref<128xi32, #tpu.memory_space<vmem>>
        %dma_start3A_12 = arith.constant 0 : i32
        %dma_start3A_13 = arith.constant 0 : i32
        %dma_start3A_14 = tpu.memref_slice %arg8[%dma_start3A_12, %dma_start3A_13] : memref<10240x128xf32, #tpu.memory_space<vmem_shared>> -> memref<10240x128xf32, #tpu.memory_space<vmem_shared>>
        tpu.enqueue_indirect_dma source(%arg7 : memref<128x128xf32, #tpu.memory_space<vmem>>) target(%dma_start3A_14 : memref<10240x128xf32, #tpu.memory_space<vmem_shared>>) offsets(%dma_start3A_11 : memref<128xi32, #tpu.memory_space<vmem>>) semaphore(%run_scoped3A : memref<!tpu.dma_semaphore, #tpu.memory_space<semaphore_mem>>) {add = true}
        %dma_wait3A = arith.constant 0 : i32
        %dma_wait3A_15 = tpu.memref_slice %arg6[%scan3A_9, %dma_wait3A] : memref<80x128xi32, #tpu.memory_space<vmem>> -> memref<1x128xi32, #tpu.memory_space<vmem>>
        %dma_wait3A_16 = tpu.memref_squeeze %dma_wait3A_15 : memref<1x128xi32, #tpu.memory_space<vmem>> -> memref<128xi32, #tpu.memory_space<vmem>>
        %dma_wait3A_17 = arith.constant 0 : i32
        %dma_wait3A_18 = arith.constant 0 : i32
        %dma_wait3A_19 = tpu.memref_slice %arg8[%dma_wait3A_17, %dma_wait3A_18] : memref<10240x128xf32, #tpu.memory_space<vmem_shared>> -> memref<10240x128xf32, #tpu.memory_space<vmem_shared>>
        tpu.wait_indirect_dma semaphore(%run_scoped3A : memref<!tpu.dma_semaphore, #tpu.memory_space<semaphore_mem>>) src(%arg7 : memref<128x128xf32, #tpu.memory_space<vmem>>) dst(%dma_wait3A_19 : memref<10240x128xf32, #tpu.memory_space<vmem_shared>>)
        tpu.yield
      }) : () -> ()
    }
    %scan3A_7 = arith.constant 80 : i32
    %barrier3A_8 = arith.constant 0 : index
    tpu.barrier barrier_id(%barrier3A_8)
    "tpu.region"() ({
      %run_scoped3A = tpu.sem_alloc : memref<!tpu.dma_semaphore, #tpu.memory_space<semaphore_mem>>
      %dma_start3A = arith.constant 0 : i32
      %dma_start3A_9 = tpu.memref_slice %arg5[%arg0, %multiple_of3A, %dma_start3A] : memref<2x10240x128xf32, #tpu.memory_space<hbm>> -> memref<1x640x128xf32, #tpu.memory_space<hbm>>
      %dma_start3A_10 = tpu.memref_squeeze %dma_start3A_9 : memref<1x640x128xf32, #tpu.memory_space<hbm>> -> memref<640x128xf32, #tpu.memory_space<hbm>>
      %dma_start3A_11 = arith.constant 0 : i32
      %dma_start3A_12 = tpu.memref_slice %arg8[%multiple_of3A, %dma_start3A_11] : memref<10240x128xf32, #tpu.memory_space<vmem_shared>> -> memref<640x128xf32, #tpu.memory_space<vmem_shared>>
      tpu.enqueue_dma source(%dma_start3A_12 : memref<640x128xf32, #tpu.memory_space<vmem_shared>>) target(%dma_start3A_10 : memref<640x128xf32, #tpu.memory_space<hbm>>) target_semaphore(%run_scoped3A : memref<!tpu.dma_semaphore, #tpu.memory_space<semaphore_mem>>)
      %dma_wait3A = arith.constant 0 : i32
      %dma_wait3A_13 = tpu.memref_slice %arg5[%arg0, %multiple_of3A, %dma_wait3A] : memref<2x10240x128xf32, #tpu.memory_space<hbm>> -> memref<1x640x128xf32, #tpu.memory_space<hbm>>
      %dma_wait3A_14 = tpu.memref_squeeze %dma_wait3A_13 : memref<1x640x128xf32, #tpu.memory_space<hbm>> -> memref<640x128xf32, #tpu.memory_space<hbm>>
      %dma_wait3A_15 = arith.constant 0 : i32
      %dma_wait3A_16 = tpu.memref_slice %arg8[%multiple_of3A, %dma_wait3A_15] : memref<10240x128xf32, #tpu.memory_space<vmem_shared>> -> memref<640x128xf32, #tpu.memory_space<vmem_shared>>
      tpu.wait_dma2 semaphore(%run_scoped3A : memref<!tpu.dma_semaphore, #tpu.memory_space<semaphore_mem>>) src(%dma_wait3A_16 : memref<640x128xf32, #tpu.memory_space<vmem_shared>>) dst(%dma_wait3A_14 : memref<640x128xf32, #tpu.memory_space<hbm>>)
      tpu.yield
    }) : () -> ()
    return
  }
}

#map = affine_map<(d0, d1) -> (0, 0)>
#map1 = affine_map<(d0, d1) -> (0, 0, 0)>
module attributes {stable_mosaic.version = 14 : i64} {
  func.func @_agg2_body(%arg0: i32, %arg1: i32, %arg2: memref<20480x128xf32, #tpu.memory_space<hbm>>, %arg3: memref<32x80x128xi32, #tpu.memory_space<hbm>>, %arg4: memref<32x80x128xi32, #tpu.memory_space<hbm>>, %arg5: memref<5120x128xf32, #tpu.memory_space<hbm>>, %arg6: memref<2x5120x128xf32, #tpu.memory_space<hbm>>, %arg7: memref<80x128xi32, #tpu.memory_space<vmem>>, %arg8: memref<80x128xi32, #tpu.memory_space<vmem>>, %arg9: memref<128x128xf32, #tpu.memory_space<vmem>>, %arg10: memref<128x128xf32, #tpu.memory_space<vmem>>, %arg11: memref<128x128xf32, #tpu.memory_space<vmem>>, %arg12: memref<128x128xf32, #tpu.memory_space<vmem>>, %arg13: memref<5120x128xf32, #tpu.memory_space<vmem_shared>>, %arg14: memref<!tpu.dma_semaphore, #tpu.memory_space<semaphore_mem>>, %arg15: memref<!tpu.dma_semaphore, #tpu.memory_space<semaphore_mem>>, %arg16: memref<!tpu.dma_semaphore, #tpu.memory_space<semaphore_mem>>, %arg17: memref<!tpu.dma_semaphore, #tpu.memory_space<semaphore_mem>>) attributes {dimension_semantics = [#tpu.dimension_semantics<core_parallel>, #tpu.dimension_semantics<subcore_parallel>], iteration_bounds = array<i64: 2, 16>, scalar_prefetch = 0 : i64, scratch_operands = 11 : i64, tpu.core_type = #tpu.core_type<sc_vector_subcore>, window_params = [{transform_indices = #map}, {transform_indices = #map1}, {transform_indices = #map1}, {transform_indices = #map}, {transform_indices = #map1}]} {
    %mul3A = arith.constant 320 : i32
    %mul3A_0 = arith.muli %arg1, %mul3A : i32
    %multiple_of3A = tpu.assume_multiple %mul3A_0, 8 : i32
    %mul3A_1 = arith.constant 2 : i32
    %mul3A_2 = arith.muli %arg1, %mul3A_1 : i32
    %add3A = arith.addi %mul3A_2, %arg0 : i32
    "tpu.region"() ({
      %run_scoped3A = tpu.sem_alloc : memref<!tpu.dma_semaphore, #tpu.memory_space<semaphore_mem>>
      %dma_start3A = arith.constant 0 : i32
      %dma_start3A_9 = tpu.memref_slice %arg13[%multiple_of3A, %dma_start3A] : memref<5120x128xf32, #tpu.memory_space<vmem_shared>> -> memref<320x128xf32, #tpu.memory_space<vmem_shared>>
      %dma_start3A_10 = arith.constant 0 : i32
      %dma_start3A_11 = tpu.memref_slice %arg5[%multiple_of3A, %dma_start3A_10] : memref<5120x128xf32, #tpu.memory_space<hbm>> -> memref<320x128xf32, #tpu.memory_space<hbm>>
      tpu.enqueue_dma source(%dma_start3A_11 : memref<320x128xf32, #tpu.memory_space<hbm>>) target(%dma_start3A_9 : memref<320x128xf32, #tpu.memory_space<vmem_shared>>) target_semaphore(%run_scoped3A : memref<!tpu.dma_semaphore, #tpu.memory_space<semaphore_mem>>)
      %dma_wait3A = arith.constant 0 : i32
      %dma_wait3A_12 = tpu.memref_slice %arg13[%multiple_of3A, %dma_wait3A] : memref<5120x128xf32, #tpu.memory_space<vmem_shared>> -> memref<320x128xf32, #tpu.memory_space<vmem_shared>>
      %dma_wait3A_13 = arith.constant 0 : i32
      %dma_wait3A_14 = tpu.memref_slice %arg5[%multiple_of3A, %dma_wait3A_13] : memref<5120x128xf32, #tpu.memory_space<hbm>> -> memref<320x128xf32, #tpu.memory_space<hbm>>
      tpu.wait_dma2 semaphore(%run_scoped3A : memref<!tpu.dma_semaphore, #tpu.memory_space<semaphore_mem>>) src(%dma_wait3A_14 : memref<320x128xf32, #tpu.memory_space<hbm>>) dst(%dma_wait3A_12 : memref<320x128xf32, #tpu.memory_space<vmem_shared>>)
      tpu.yield
    }) : () -> ()
    "tpu.region"() ({
      %run_scoped3A = tpu.sem_alloc : memref<!tpu.dma_semaphore, #tpu.memory_space<semaphore_mem>>
      %dma_start3A = arith.constant 0 : i32
      %dma_start3A_9 = arith.constant 0 : i32
      %dma_start3A_10 = tpu.memref_slice %arg3[%add3A, %dma_start3A, %dma_start3A_9] : memref<32x80x128xi32, #tpu.memory_space<hbm>> -> memref<1x80x128xi32, #tpu.memory_space<hbm>>
      %dma_start3A_11 = tpu.memref_squeeze %dma_start3A_10 : memref<1x80x128xi32, #tpu.memory_space<hbm>> -> memref<80x128xi32, #tpu.memory_space<hbm>>
      %dma_start3A_12 = arith.constant 0 : i32
      %dma_start3A_13 = arith.constant 0 : i32
      %dma_start3A_14 = tpu.memref_slice %arg3[%add3A, %dma_start3A_12, %dma_start3A_13] : memref<32x80x128xi32, #tpu.memory_space<hbm>> -> memref<1x80x128xi32, #tpu.memory_space<hbm>>
      %dma_start3A_15 = tpu.memref_squeeze %dma_start3A_14 : memref<1x80x128xi32, #tpu.memory_space<hbm>> -> memref<80x128xi32, #tpu.memory_space<hbm>>
      tpu.enqueue_dma source(%dma_start3A_15 : memref<80x128xi32, #tpu.memory_space<hbm>>) target(%arg7 : memref<80x128xi32, #tpu.memory_space<vmem>>) target_semaphore(%run_scoped3A : memref<!tpu.dma_semaphore, #tpu.memory_space<semaphore_mem>>)
      %dma_wait3A = arith.constant 0 : i32
      %dma_wait3A_16 = arith.constant 0 : i32
      %dma_wait3A_17 = tpu.memref_slice %arg3[%add3A, %dma_wait3A, %dma_wait3A_16] : memref<32x80x128xi32, #tpu.memory_space<hbm>> -> memref<1x80x128xi32, #tpu.memory_space<hbm>>
      %dma_wait3A_18 = tpu.memref_squeeze %dma_wait3A_17 : memref<1x80x128xi32, #tpu.memory_space<hbm>> -> memref<80x128xi32, #tpu.memory_space<hbm>>
      %dma_wait3A_19 = arith.constant 0 : i32
      %dma_wait3A_20 = arith.constant 0 : i32
      %dma_wait3A_21 = tpu.memref_slice %arg3[%add3A, %dma_wait3A_19, %dma_wait3A_20] : memref<32x80x128xi32, #tpu.memory_space<hbm>> -> memref<1x80x128xi32, #tpu.memory_space<hbm>>
      %dma_wait3A_22 = tpu.memref_squeeze %dma_wait3A_21 : memref<1x80x128xi32, #tpu.memory_space<hbm>> -> memref<80x128xi32, #tpu.memory_space<hbm>>
      tpu.wait_dma2 semaphore(%run_scoped3A : memref<!tpu.dma_semaphore, #tpu.memory_space<semaphore_mem>>) src(%dma_wait3A_22 : memref<80x128xi32, #tpu.memory_space<hbm>>) dst(%arg7 : memref<80x128xi32, #tpu.memory_space<vmem>>)
      tpu.yield
    }) : () -> ()
    "tpu.region"() ({
      %run_scoped3A = tpu.sem_alloc : memref<!tpu.dma_semaphore, #tpu.memory_space<semaphore_mem>>
      %dma_start3A = arith.constant 0 : i32
      %dma_start3A_9 = arith.constant 0 : i32
      %dma_start3A_10 = tpu.memref_slice %arg4[%add3A, %dma_start3A, %dma_start3A_9] : memref<32x80x128xi32, #tpu.memory_space<hbm>> -> memref<1x80x128xi32, #tpu.memory_space<hbm>>
      %dma_start3A_11 = tpu.memref_squeeze %dma_start3A_10 : memref<1x80x128xi32, #tpu.memory_space<hbm>> -> memref<80x128xi32, #tpu.memory_space<hbm>>
      %dma_start3A_12 = arith.constant 0 : i32
      %dma_start3A_13 = arith.constant 0 : i32
      %dma_start3A_14 = tpu.memref_slice %arg4[%add3A, %dma_start3A_12, %dma_start3A_13] : memref<32x80x128xi32, #tpu.memory_space<hbm>> -> memref<1x80x128xi32, #tpu.memory_space<hbm>>
      %dma_start3A_15 = tpu.memref_squeeze %dma_start3A_14 : memref<1x80x128xi32, #tpu.memory_space<hbm>> -> memref<80x128xi32, #tpu.memory_space<hbm>>
      tpu.enqueue_dma source(%dma_start3A_15 : memref<80x128xi32, #tpu.memory_space<hbm>>) target(%arg8 : memref<80x128xi32, #tpu.memory_space<vmem>>) target_semaphore(%run_scoped3A : memref<!tpu.dma_semaphore, #tpu.memory_space<semaphore_mem>>)
      %dma_wait3A = arith.constant 0 : i32
      %dma_wait3A_16 = arith.constant 0 : i32
      %dma_wait3A_17 = tpu.memref_slice %arg4[%add3A, %dma_wait3A, %dma_wait3A_16] : memref<32x80x128xi32, #tpu.memory_space<hbm>> -> memref<1x80x128xi32, #tpu.memory_space<hbm>>
      %dma_wait3A_18 = tpu.memref_squeeze %dma_wait3A_17 : memref<1x80x128xi32, #tpu.memory_space<hbm>> -> memref<80x128xi32, #tpu.memory_space<hbm>>
      %dma_wait3A_19 = arith.constant 0 : i32
      %dma_wait3A_20 = arith.constant 0 : i32
      %dma_wait3A_21 = tpu.memref_slice %arg4[%add3A, %dma_wait3A_19, %dma_wait3A_20] : memref<32x80x128xi32, #tpu.memory_space<hbm>> -> memref<1x80x128xi32, #tpu.memory_space<hbm>>
      %dma_wait3A_22 = tpu.memref_squeeze %dma_wait3A_21 : memref<1x80x128xi32, #tpu.memory_space<hbm>> -> memref<80x128xi32, #tpu.memory_space<hbm>>
      tpu.wait_dma2 semaphore(%run_scoped3A : memref<!tpu.dma_semaphore, #tpu.memory_space<semaphore_mem>>) src(%dma_wait3A_22 : memref<80x128xi32, #tpu.memory_space<hbm>>) dst(%arg8 : memref<80x128xi32, #tpu.memory_space<vmem>>)
      tpu.yield
    }) : () -> ()
    %barrier3A = arith.constant 0 : index
    tpu.barrier barrier_id(%barrier3A)
    %scan3A = arith.constant 0 : i32
    %scan3A_3 = arith.constant 0 : i32
    %scan3A_4 = arith.constant 20 : i32
    %scan3A_5 = arith.addi %scan3A_3, %scan3A_4 : i32
    %scan3A_6 = arith.constant 1 : i32
    scf.for %scan3A_9 = %scan3A_3 to %scan3A_5 step %scan3A_6  : i32 {
      %mul3A_10 = arith.constant 4 : i32
      %mul3A_11 = arith.muli %scan3A_9, %mul3A_10 : i32
      %dma_start3A = arith.constant 0 : i32
      %dma_start3A_12 = tpu.memref_slice %arg7[%mul3A_11, %dma_start3A] : memref<80x128xi32, #tpu.memory_space<vmem>> -> memref<1x128xi32, #tpu.memory_space<vmem>>
      %dma_start3A_13 = tpu.memref_squeeze %dma_start3A_12 : memref<1x128xi32, #tpu.memory_space<vmem>> -> memref<128xi32, #tpu.memory_space<vmem>>
      %dma_start3A_14 = arith.constant 0 : i32
      %dma_start3A_15 = arith.constant 0 : i32
      %dma_start3A_16 = tpu.memref_slice %arg2[%dma_start3A_14, %dma_start3A_15] : memref<20480x128xf32, #tpu.memory_space<hbm>> -> memref<20480x128xf32, #tpu.memory_space<hbm>>
      tpu.enqueue_indirect_dma source(%dma_start3A_16 : memref<20480x128xf32, #tpu.memory_space<hbm>>) target(%arg9 : memref<128x128xf32, #tpu.memory_space<vmem>>) offsets(%dma_start3A_13 : memref<128xi32, #tpu.memory_space<vmem>>) semaphore(%arg14 : memref<!tpu.dma_semaphore, #tpu.memory_space<semaphore_mem>>)
      %add3A_17 = arith.constant 1 : i32
      %add3A_18 = arith.addi %mul3A_11, %add3A_17 : i32
      %dma_start3A_19 = arith.constant 0 : i32
      %dma_start3A_20 = tpu.memref_slice %arg7[%add3A_18, %dma_start3A_19] : memref<80x128xi32, #tpu.memory_space<vmem>> -> memref<1x128xi32, #tpu.memory_space<vmem>>
      %dma_start3A_21 = tpu.memref_squeeze %dma_start3A_20 : memref<1x128xi32, #tpu.memory_space<vmem>> -> memref<128xi32, #tpu.memory_space<vmem>>
      %dma_start3A_22 = arith.constant 0 : i32
      %dma_start3A_23 = arith.constant 0 : i32
      %dma_start3A_24 = tpu.memref_slice %arg2[%dma_start3A_22, %dma_start3A_23] : memref<20480x128xf32, #tpu.memory_space<hbm>> -> memref<20480x128xf32, #tpu.memory_space<hbm>>
      tpu.enqueue_indirect_dma source(%dma_start3A_24 : memref<20480x128xf32, #tpu.memory_space<hbm>>) target(%arg10 : memref<128x128xf32, #tpu.memory_space<vmem>>) offsets(%dma_start3A_21 : memref<128xi32, #tpu.memory_space<vmem>>) semaphore(%arg15 : memref<!tpu.dma_semaphore, #tpu.memory_space<semaphore_mem>>)
      %add3A_25 = arith.constant 2 : i32
      %add3A_26 = arith.addi %mul3A_11, %add3A_25 : i32
      %dma_start3A_27 = arith.constant 0 : i32
      %dma_start3A_28 = tpu.memref_slice %arg7[%add3A_26, %dma_start3A_27] : memref<80x128xi32, #tpu.memory_space<vmem>> -> memref<1x128xi32, #tpu.memory_space<vmem>>
      %dma_start3A_29 = tpu.memref_squeeze %dma_start3A_28 : memref<1x128xi32, #tpu.memory_space<vmem>> -> memref<128xi32, #tpu.memory_space<vmem>>
      %dma_start3A_30 = arith.constant 0 : i32
      %dma_start3A_31 = arith.constant 0 : i32
      %dma_start3A_32 = tpu.memref_slice %arg2[%dma_start3A_30, %dma_start3A_31] : memref<20480x128xf32, #tpu.memory_space<hbm>> -> memref<20480x128xf32, #tpu.memory_space<hbm>>
      tpu.enqueue_indirect_dma source(%dma_start3A_32 : memref<20480x128xf32, #tpu.memory_space<hbm>>) target(%arg11 : memref<128x128xf32, #tpu.memory_space<vmem>>) offsets(%dma_start3A_29 : memref<128xi32, #tpu.memory_space<vmem>>) semaphore(%arg16 : memref<!tpu.dma_semaphore, #tpu.memory_space<semaphore_mem>>)
      %add3A_33 = arith.constant 3 : i32
      %add3A_34 = arith.addi %mul3A_11, %add3A_33 : i32
      %dma_start3A_35 = arith.constant 0 : i32
      %dma_start3A_36 = tpu.memref_slice %arg7[%add3A_34, %dma_start3A_35] : memref<80x128xi32, #tpu.memory_space<vmem>> -> memref<1x128xi32, #tpu.memory_space<vmem>>
      %dma_start3A_37 = tpu.memref_squeeze %dma_start3A_36 : memref<1x128xi32, #tpu.memory_space<vmem>> -> memref<128xi32, #tpu.memory_space<vmem>>
      %dma_start3A_38 = arith.constant 0 : i32
      %dma_start3A_39 = arith.constant 0 : i32
      %dma_start3A_40 = tpu.memref_slice %arg2[%dma_start3A_38, %dma_start3A_39] : memref<20480x128xf32, #tpu.memory_space<hbm>> -> memref<20480x128xf32, #tpu.memory_space<hbm>>
      tpu.enqueue_indirect_dma source(%dma_start3A_40 : memref<20480x128xf32, #tpu.memory_space<hbm>>) target(%arg12 : memref<128x128xf32, #tpu.memory_space<vmem>>) offsets(%dma_start3A_37 : memref<128xi32, #tpu.memory_space<vmem>>) semaphore(%arg17 : memref<!tpu.dma_semaphore, #tpu.memory_space<semaphore_mem>>)
      %dma_wait3A = arith.constant 0 : i32
      %dma_wait3A_41 = tpu.memref_slice %arg7[%mul3A_11, %dma_wait3A] : memref<80x128xi32, #tpu.memory_space<vmem>> -> memref<1x128xi32, #tpu.memory_space<vmem>>
      %dma_wait3A_42 = tpu.memref_squeeze %dma_wait3A_41 : memref<1x128xi32, #tpu.memory_space<vmem>> -> memref<128xi32, #tpu.memory_space<vmem>>
      %dma_wait3A_43 = arith.constant 0 : i32
      %dma_wait3A_44 = arith.constant 0 : i32
      %dma_wait3A_45 = tpu.memref_slice %arg2[%dma_wait3A_43, %dma_wait3A_44] : memref<20480x128xf32, #tpu.memory_space<hbm>> -> memref<20480x128xf32, #tpu.memory_space<hbm>>
      tpu.wait_indirect_dma semaphore(%arg14 : memref<!tpu.dma_semaphore, #tpu.memory_space<semaphore_mem>>) src(%dma_wait3A_45 : memref<20480x128xf32, #tpu.memory_space<hbm>>) dst(%arg9 : memref<128x128xf32, #tpu.memory_space<vmem>>)
      "tpu.region"() ({
        %run_scoped3A = tpu.sem_alloc : memref<!tpu.dma_semaphore, #tpu.memory_space<semaphore_mem>>
        %dma_start3A_70 = arith.constant 0 : i32
        %dma_start3A_71 = tpu.memref_slice %arg8[%mul3A_11, %dma_start3A_70] : memref<80x128xi32, #tpu.memory_space<vmem>> -> memref<1x128xi32, #tpu.memory_space<vmem>>
        %dma_start3A_72 = tpu.memref_squeeze %dma_start3A_71 : memref<1x128xi32, #tpu.memory_space<vmem>> -> memref<128xi32, #tpu.memory_space<vmem>>
        %dma_start3A_73 = arith.constant 0 : i32
        %dma_start3A_74 = arith.constant 0 : i32
        %dma_start3A_75 = tpu.memref_slice %arg13[%dma_start3A_73, %dma_start3A_74] : memref<5120x128xf32, #tpu.memory_space<vmem_shared>> -> memref<5120x128xf32, #tpu.memory_space<vmem_shared>>
        tpu.enqueue_indirect_dma source(%arg9 : memref<128x128xf32, #tpu.memory_space<vmem>>) target(%dma_start3A_75 : memref<5120x128xf32, #tpu.memory_space<vmem_shared>>) offsets(%dma_start3A_72 : memref<128xi32, #tpu.memory_space<vmem>>) semaphore(%run_scoped3A : memref<!tpu.dma_semaphore, #tpu.memory_space<semaphore_mem>>) {add = true}
        %dma_wait3A_76 = arith.constant 0 : i32
        %dma_wait3A_77 = tpu.memref_slice %arg8[%mul3A_11, %dma_wait3A_76] : memref<80x128xi32, #tpu.memory_space<vmem>> -> memref<1x128xi32, #tpu.memory_space<vmem>>
        %dma_wait3A_78 = tpu.memref_squeeze %dma_wait3A_77 : memref<1x128xi32, #tpu.memory_space<vmem>> -> memref<128xi32, #tpu.memory_space<vmem>>
        %dma_wait3A_79 = arith.constant 0 : i32
        %dma_wait3A_80 = arith.constant 0 : i32
        %dma_wait3A_81 = tpu.memref_slice %arg13[%dma_wait3A_79, %dma_wait3A_80] : memref<5120x128xf32, #tpu.memory_space<vmem_shared>> -> memref<5120x128xf32, #tpu.memory_space<vmem_shared>>
        tpu.wait_indirect_dma semaphore(%run_scoped3A : memref<!tpu.dma_semaphore, #tpu.memory_space<semaphore_mem>>) src(%arg9 : memref<128x128xf32, #tpu.memory_space<vmem>>) dst(%dma_wait3A_81 : memref<5120x128xf32, #tpu.memory_space<vmem_shared>>)
        tpu.yield
      }) : () -> ()
      %dma_wait3A_46 = arith.constant 0 : i32
      %dma_wait3A_47 = tpu.memref_slice %arg7[%add3A_18, %dma_wait3A_46] : memref<80x128xi32, #tpu.memory_space<vmem>> -> memref<1x128xi32, #tpu.memory_space<vmem>>
      %dma_wait3A_48 = tpu.memref_squeeze %dma_wait3A_47 : memref<1x128xi32, #tpu.memory_space<vmem>> -> memref<128xi32, #tpu.memory_space<vmem>>
      %dma_wait3A_49 = arith.constant 0 : i32
      %dma_wait3A_50 = arith.constant 0 : i32
      %dma_wait3A_51 = tpu.memref_slice %arg2[%dma_wait3A_49, %dma_wait3A_50] : memref<20480x128xf32, #tpu.memory_space<hbm>> -> memref<20480x128xf32, #tpu.memory_space<hbm>>
      tpu.wait_indirect_dma semaphore(%arg15 : memref<!tpu.dma_semaphore, #tpu.memory_space<semaphore_mem>>) src(%dma_wait3A_51 : memref<20480x128xf32, #tpu.memory_space<hbm>>) dst(%arg10 : memref<128x128xf32, #tpu.memory_space<vmem>>)
      %add3A_52 = arith.constant 1 : i32
      %add3A_53 = arith.addi %mul3A_11, %add3A_52 : i32
      "tpu.region"() ({
        %run_scoped3A = tpu.sem_alloc : memref<!tpu.dma_semaphore, #tpu.memory_space<semaphore_mem>>
        %dma_start3A_70 = arith.constant 0 : i32
        %dma_start3A_71 = tpu.memref_slice %arg8[%add3A_53, %dma_start3A_70] : memref<80x128xi32, #tpu.memory_space<vmem>> -> memref<1x128xi32, #tpu.memory_space<vmem>>
        %dma_start3A_72 = tpu.memref_squeeze %dma_start3A_71 : memref<1x128xi32, #tpu.memory_space<vmem>> -> memref<128xi32, #tpu.memory_space<vmem>>
        %dma_start3A_73 = arith.constant 0 : i32
        %dma_start3A_74 = arith.constant 0 : i32
        %dma_start3A_75 = tpu.memref_slice %arg13[%dma_start3A_73, %dma_start3A_74] : memref<5120x128xf32, #tpu.memory_space<vmem_shared>> -> memref<5120x128xf32, #tpu.memory_space<vmem_shared>>
        tpu.enqueue_indirect_dma source(%arg10 : memref<128x128xf32, #tpu.memory_space<vmem>>) target(%dma_start3A_75 : memref<5120x128xf32, #tpu.memory_space<vmem_shared>>) offsets(%dma_start3A_72 : memref<128xi32, #tpu.memory_space<vmem>>) semaphore(%run_scoped3A : memref<!tpu.dma_semaphore, #tpu.memory_space<semaphore_mem>>) {add = true}
        %dma_wait3A_76 = arith.constant 0 : i32
        %dma_wait3A_77 = tpu.memref_slice %arg8[%add3A_53, %dma_wait3A_76] : memref<80x128xi32, #tpu.memory_space<vmem>> -> memref<1x128xi32, #tpu.memory_space<vmem>>
        %dma_wait3A_78 = tpu.memref_squeeze %dma_wait3A_77 : memref<1x128xi32, #tpu.memory_space<vmem>> -> memref<128xi32, #tpu.memory_space<vmem>>
        %dma_wait3A_79 = arith.constant 0 : i32
        %dma_wait3A_80 = arith.constant 0 : i32
        %dma_wait3A_81 = tpu.memref_slice %arg13[%dma_wait3A_79, %dma_wait3A_80] : memref<5120x128xf32, #tpu.memory_space<vmem_shared>> -> memref<5120x128xf32, #tpu.memory_space<vmem_shared>>
        tpu.wait_indirect_dma semaphore(%run_scoped3A : memref<!tpu.dma_semaphore, #tpu.memory_space<semaphore_mem>>) src(%arg10 : memref<128x128xf32, #tpu.memory_space<vmem>>) dst(%dma_wait3A_81 : memref<5120x128xf32, #tpu.memory_space<vmem_shared>>)
        tpu.yield
      }) : () -> ()
      %dma_wait3A_54 = arith.constant 0 : i32
      %dma_wait3A_55 = tpu.memref_slice %arg7[%add3A_26, %dma_wait3A_54] : memref<80x128xi32, #tpu.memory_space<vmem>> -> memref<1x128xi32, #tpu.memory_space<vmem>>
      %dma_wait3A_56 = tpu.memref_squeeze %dma_wait3A_55 : memref<1x128xi32, #tpu.memory_space<vmem>> -> memref<128xi32, #tpu.memory_space<vmem>>
      %dma_wait3A_57 = arith.constant 0 : i32
      %dma_wait3A_58 = arith.constant 0 : i32
      %dma_wait3A_59 = tpu.memref_slice %arg2[%dma_wait3A_57, %dma_wait3A_58] : memref<20480x128xf32, #tpu.memory_space<hbm>> -> memref<20480x128xf32, #tpu.memory_space<hbm>>
      tpu.wait_indirect_dma semaphore(%arg16 : memref<!tpu.dma_semaphore, #tpu.memory_space<semaphore_mem>>) src(%dma_wait3A_59 : memref<20480x128xf32, #tpu.memory_space<hbm>>) dst(%arg11 : memref<128x128xf32, #tpu.memory_space<vmem>>)
      %add3A_60 = arith.constant 2 : i32
      %add3A_61 = arith.addi %mul3A_11, %add3A_60 : i32
      "tpu.region"() ({
        %run_scoped3A = tpu.sem_alloc : memref<!tpu.dma_semaphore, #tpu.memory_space<semaphore_mem>>
        %dma_start3A_70 = arith.constant 0 : i32
        %dma_start3A_71 = tpu.memref_slice %arg8[%add3A_61, %dma_start3A_70] : memref<80x128xi32, #tpu.memory_space<vmem>> -> memref<1x128xi32, #tpu.memory_space<vmem>>
        %dma_start3A_72 = tpu.memref_squeeze %dma_start3A_71 : memref<1x128xi32, #tpu.memory_space<vmem>> -> memref<128xi32, #tpu.memory_space<vmem>>
        %dma_start3A_73 = arith.constant 0 : i32
        %dma_start3A_74 = arith.constant 0 : i32
        %dma_start3A_75 = tpu.memref_slice %arg13[%dma_start3A_73, %dma_start3A_74] : memref<5120x128xf32, #tpu.memory_space<vmem_shared>> -> memref<5120x128xf32, #tpu.memory_space<vmem_shared>>
        tpu.enqueue_indirect_dma source(%arg11 : memref<128x128xf32, #tpu.memory_space<vmem>>) target(%dma_start3A_75 : memref<5120x128xf32, #tpu.memory_space<vmem_shared>>) offsets(%dma_start3A_72 : memref<128xi32, #tpu.memory_space<vmem>>) semaphore(%run_scoped3A : memref<!tpu.dma_semaphore, #tpu.memory_space<semaphore_mem>>) {add = true}
        %dma_wait3A_76 = arith.constant 0 : i32
        %dma_wait3A_77 = tpu.memref_slice %arg8[%add3A_61, %dma_wait3A_76] : memref<80x128xi32, #tpu.memory_space<vmem>> -> memref<1x128xi32, #tpu.memory_space<vmem>>
        %dma_wait3A_78 = tpu.memref_squeeze %dma_wait3A_77 : memref<1x128xi32, #tpu.memory_space<vmem>> -> memref<128xi32, #tpu.memory_space<vmem>>
        %dma_wait3A_79 = arith.constant 0 : i32
        %dma_wait3A_80 = arith.constant 0 : i32
        %dma_wait3A_81 = tpu.memref_slice %arg13[%dma_wait3A_79, %dma_wait3A_80] : memref<5120x128xf32, #tpu.memory_space<vmem_shared>> -> memref<5120x128xf32, #tpu.memory_space<vmem_shared>>
        tpu.wait_indirect_dma semaphore(%run_scoped3A : memref<!tpu.dma_semaphore, #tpu.memory_space<semaphore_mem>>) src(%arg11 : memref<128x128xf32, #tpu.memory_space<vmem>>) dst(%dma_wait3A_81 : memref<5120x128xf32, #tpu.memory_space<vmem_shared>>)
        tpu.yield
      }) : () -> ()
      %dma_wait3A_62 = arith.constant 0 : i32
      %dma_wait3A_63 = tpu.memref_slice %arg7[%add3A_34, %dma_wait3A_62] : memref<80x128xi32, #tpu.memory_space<vmem>> -> memref<1x128xi32, #tpu.memory_space<vmem>>
      %dma_wait3A_64 = tpu.memref_squeeze %dma_wait3A_63 : memref<1x128xi32, #tpu.memory_space<vmem>> -> memref<128xi32, #tpu.memory_space<vmem>>
      %dma_wait3A_65 = arith.constant 0 : i32
      %dma_wait3A_66 = arith.constant 0 : i32
      %dma_wait3A_67 = tpu.memref_slice %arg2[%dma_wait3A_65, %dma_wait3A_66] : memref<20480x128xf32, #tpu.memory_space<hbm>> -> memref<20480x128xf32, #tpu.memory_space<hbm>>
      tpu.wait_indirect_dma semaphore(%arg17 : memref<!tpu.dma_semaphore, #tpu.memory_space<semaphore_mem>>) src(%dma_wait3A_67 : memref<20480x128xf32, #tpu.memory_space<hbm>>) dst(%arg12 : memref<128x128xf32, #tpu.memory_space<vmem>>)
      %add3A_68 = arith.constant 3 : i32
      %add3A_69 = arith.addi %mul3A_11, %add3A_68 : i32
      "tpu.region"() ({
        %run_scoped3A = tpu.sem_alloc : memref<!tpu.dma_semaphore, #tpu.memory_space<semaphore_mem>>
        %dma_start3A_70 = arith.constant 0 : i32
        %dma_start3A_71 = tpu.memref_slice %arg8[%add3A_69, %dma_start3A_70] : memref<80x128xi32, #tpu.memory_space<vmem>> -> memref<1x128xi32, #tpu.memory_space<vmem>>
        %dma_start3A_72 = tpu.memref_squeeze %dma_start3A_71 : memref<1x128xi32, #tpu.memory_space<vmem>> -> memref<128xi32, #tpu.memory_space<vmem>>
        %dma_start3A_73 = arith.constant 0 : i32
        %dma_start3A_74 = arith.constant 0 : i32
        %dma_start3A_75 = tpu.memref_slice %arg13[%dma_start3A_73, %dma_start3A_74] : memref<5120x128xf32, #tpu.memory_space<vmem_shared>> -> memref<5120x128xf32, #tpu.memory_space<vmem_shared>>
        tpu.enqueue_indirect_dma source(%arg12 : memref<128x128xf32, #tpu.memory_space<vmem>>) target(%dma_start3A_75 : memref<5120x128xf32, #tpu.memory_space<vmem_shared>>) offsets(%dma_start3A_72 : memref<128xi32, #tpu.memory_space<vmem>>) semaphore(%run_scoped3A : memref<!tpu.dma_semaphore, #tpu.memory_space<semaphore_mem>>) {add = true}
        %dma_wait3A_76 = arith.constant 0 : i32
        %dma_wait3A_77 = tpu.memref_slice %arg8[%add3A_69, %dma_wait3A_76] : memref<80x128xi32, #tpu.memory_space<vmem>> -> memref<1x128xi32, #tpu.memory_space<vmem>>
        %dma_wait3A_78 = tpu.memref_squeeze %dma_wait3A_77 : memref<1x128xi32, #tpu.memory_space<vmem>> -> memref<128xi32, #tpu.memory_space<vmem>>
        %dma_wait3A_79 = arith.constant 0 : i32
        %dma_wait3A_80 = arith.constant 0 : i32
        %dma_wait3A_81 = tpu.memref_slice %arg13[%dma_wait3A_79, %dma_wait3A_80] : memref<5120x128xf32, #tpu.memory_space<vmem_shared>> -> memref<5120x128xf32, #tpu.memory_space<vmem_shared>>
        tpu.wait_indirect_dma semaphore(%run_scoped3A : memref<!tpu.dma_semaphore, #tpu.memory_space<semaphore_mem>>) src(%arg12 : memref<128x128xf32, #tpu.memory_space<vmem>>) dst(%dma_wait3A_81 : memref<5120x128xf32, #tpu.memory_space<vmem_shared>>)
        tpu.yield
      }) : () -> ()
    }
    %scan3A_7 = arith.constant 20 : i32
    %barrier3A_8 = arith.constant 0 : index
    tpu.barrier barrier_id(%barrier3A_8)
    "tpu.region"() ({
      %run_scoped3A = tpu.sem_alloc : memref<!tpu.dma_semaphore, #tpu.memory_space<semaphore_mem>>
      %dma_start3A = arith.constant 0 : i32
      %dma_start3A_9 = tpu.memref_slice %arg6[%arg0, %multiple_of3A, %dma_start3A] : memref<2x5120x128xf32, #tpu.memory_space<hbm>> -> memref<1x320x128xf32, #tpu.memory_space<hbm>>
      %dma_start3A_10 = tpu.memref_squeeze %dma_start3A_9 : memref<1x320x128xf32, #tpu.memory_space<hbm>> -> memref<320x128xf32, #tpu.memory_space<hbm>>
      %dma_start3A_11 = arith.constant 0 : i32
      %dma_start3A_12 = tpu.memref_slice %arg13[%multiple_of3A, %dma_start3A_11] : memref<5120x128xf32, #tpu.memory_space<vmem_shared>> -> memref<320x128xf32, #tpu.memory_space<vmem_shared>>
      tpu.enqueue_dma source(%dma_start3A_12 : memref<320x128xf32, #tpu.memory_space<vmem_shared>>) target(%dma_start3A_10 : memref<320x128xf32, #tpu.memory_space<hbm>>) target_semaphore(%run_scoped3A : memref<!tpu.dma_semaphore, #tpu.memory_space<semaphore_mem>>)
      %dma_wait3A = arith.constant 0 : i32
      %dma_wait3A_13 = tpu.memref_slice %arg6[%arg0, %multiple_of3A, %dma_wait3A] : memref<2x5120x128xf32, #tpu.memory_space<hbm>> -> memref<1x320x128xf32, #tpu.memory_space<hbm>>
      %dma_wait3A_14 = tpu.memref_squeeze %dma_wait3A_13 : memref<1x320x128xf32, #tpu.memory_space<hbm>> -> memref<320x128xf32, #tpu.memory_space<hbm>>
      %dma_wait3A_15 = arith.constant 0 : i32
      %dma_wait3A_16 = tpu.memref_slice %arg13[%multiple_of3A, %dma_wait3A_15] : memref<5120x128xf32, #tpu.memory_space<vmem_shared>> -> memref<320x128xf32, #tpu.memory_space<vmem_shared>>
      tpu.wait_dma2 semaphore(%run_scoped3A : memref<!tpu.dma_semaphore, #tpu.memory_space<semaphore_mem>>) src(%dma_wait3A_16 : memref<320x128xf32, #tpu.memory_space<vmem_shared>>) dst(%dma_wait3A_14 : memref<320x128xf32, #tpu.memory_space<hbm>>)
      tpu.yield
    }) : () -> ()
    return
  }
}

#map = affine_map<(d0, d1) -> (0, 0)>
#map1 = affine_map<(d0, d1) -> (0, 0, 0)>
module attributes {stable_mosaic.version = 14 : i64} {
  func.func @_pairs_body(%arg0: i32, %arg1: i32, %arg2: memref<10240x128xf32, #tpu.memory_space<hbm>>, %arg3: memref<32x4x128xi32, #tpu.memory_space<hbm>>, %arg4: memref<32x4x128xi32, #tpu.memory_space<hbm>>, %arg5: memref<16384x128xf32, #tpu.memory_space<hbm>>, %arg6: memref<16384x128xf32, #tpu.memory_space<hbm>>, %arg7: memref<4x128xi32, #tpu.memory_space<vmem>>, %arg8: memref<4x128xi32, #tpu.memory_space<vmem>>, %arg9: memref<128x128xf32, #tpu.memory_space<vmem>>, %arg10: memref<128x128xf32, #tpu.memory_space<vmem>>, %arg11: memref<!tpu.dma_semaphore, #tpu.memory_space<semaphore_mem>>, %arg12: memref<!tpu.dma_semaphore, #tpu.memory_space<semaphore_mem>>) attributes {dimension_semantics = [#tpu.dimension_semantics<core_parallel>, #tpu.dimension_semantics<subcore_parallel>], iteration_bounds = array<i64: 2, 16>, scalar_prefetch = 0 : i64, scratch_operands = 6 : i64, tpu.core_type = #tpu.core_type<sc_vector_subcore>, window_params = [{transform_indices = #map}, {transform_indices = #map1}, {transform_indices = #map1}, {transform_indices = #map}, {transform_indices = #map}]} {
    %mul3A = arith.constant 2 : i32
    %mul3A_0 = arith.muli %arg1, %mul3A : i32
    %add3A = arith.addi %mul3A_0, %arg0 : i32
    "tpu.region"() ({
      %run_scoped3A = tpu.sem_alloc : memref<!tpu.dma_semaphore, #tpu.memory_space<semaphore_mem>>
      %dma_start3A = arith.constant 0 : i32
      %dma_start3A_6 = arith.constant 0 : i32
      %dma_start3A_7 = tpu.memref_slice %arg3[%add3A, %dma_start3A, %dma_start3A_6] : memref<32x4x128xi32, #tpu.memory_space<hbm>> -> memref<1x4x128xi32, #tpu.memory_space<hbm>>
      %dma_start3A_8 = tpu.memref_squeeze %dma_start3A_7 : memref<1x4x128xi32, #tpu.memory_space<hbm>> -> memref<4x128xi32, #tpu.memory_space<hbm>>
      %dma_start3A_9 = arith.constant 0 : i32
      %dma_start3A_10 = arith.constant 0 : i32
      %dma_start3A_11 = tpu.memref_slice %arg3[%add3A, %dma_start3A_9, %dma_start3A_10] : memref<32x4x128xi32, #tpu.memory_space<hbm>> -> memref<1x4x128xi32, #tpu.memory_space<hbm>>
      %dma_start3A_12 = tpu.memref_squeeze %dma_start3A_11 : memref<1x4x128xi32, #tpu.memory_space<hbm>> -> memref<4x128xi32, #tpu.memory_space<hbm>>
      tpu.enqueue_dma source(%dma_start3A_12 : memref<4x128xi32, #tpu.memory_space<hbm>>) target(%arg7 : memref<4x128xi32, #tpu.memory_space<vmem>>) target_semaphore(%run_scoped3A : memref<!tpu.dma_semaphore, #tpu.memory_space<semaphore_mem>>)
      %dma_wait3A = arith.constant 0 : i32
      %dma_wait3A_13 = arith.constant 0 : i32
      %dma_wait3A_14 = tpu.memref_slice %arg3[%add3A, %dma_wait3A, %dma_wait3A_13] : memref<32x4x128xi32, #tpu.memory_space<hbm>> -> memref<1x4x128xi32, #tpu.memory_space<hbm>>
      %dma_wait3A_15 = tpu.memref_squeeze %dma_wait3A_14 : memref<1x4x128xi32, #tpu.memory_space<hbm>> -> memref<4x128xi32, #tpu.memory_space<hbm>>
      %dma_wait3A_16 = arith.constant 0 : i32
      %dma_wait3A_17 = arith.constant 0 : i32
      %dma_wait3A_18 = tpu.memref_slice %arg3[%add3A, %dma_wait3A_16, %dma_wait3A_17] : memref<32x4x128xi32, #tpu.memory_space<hbm>> -> memref<1x4x128xi32, #tpu.memory_space<hbm>>
      %dma_wait3A_19 = tpu.memref_squeeze %dma_wait3A_18 : memref<1x4x128xi32, #tpu.memory_space<hbm>> -> memref<4x128xi32, #tpu.memory_space<hbm>>
      tpu.wait_dma2 semaphore(%run_scoped3A : memref<!tpu.dma_semaphore, #tpu.memory_space<semaphore_mem>>) src(%dma_wait3A_19 : memref<4x128xi32, #tpu.memory_space<hbm>>) dst(%arg7 : memref<4x128xi32, #tpu.memory_space<vmem>>)
      tpu.yield
    }) : () -> ()
    "tpu.region"() ({
      %run_scoped3A = tpu.sem_alloc : memref<!tpu.dma_semaphore, #tpu.memory_space<semaphore_mem>>
      %dma_start3A = arith.constant 0 : i32
      %dma_start3A_6 = arith.constant 0 : i32
      %dma_start3A_7 = tpu.memref_slice %arg4[%add3A, %dma_start3A, %dma_start3A_6] : memref<32x4x128xi32, #tpu.memory_space<hbm>> -> memref<1x4x128xi32, #tpu.memory_space<hbm>>
      %dma_start3A_8 = tpu.memref_squeeze %dma_start3A_7 : memref<1x4x128xi32, #tpu.memory_space<hbm>> -> memref<4x128xi32, #tpu.memory_space<hbm>>
      %dma_start3A_9 = arith.constant 0 : i32
      %dma_start3A_10 = arith.constant 0 : i32
      %dma_start3A_11 = tpu.memref_slice %arg4[%add3A, %dma_start3A_9, %dma_start3A_10] : memref<32x4x128xi32, #tpu.memory_space<hbm>> -> memref<1x4x128xi32, #tpu.memory_space<hbm>>
      %dma_start3A_12 = tpu.memref_squeeze %dma_start3A_11 : memref<1x4x128xi32, #tpu.memory_space<hbm>> -> memref<4x128xi32, #tpu.memory_space<hbm>>
      tpu.enqueue_dma source(%dma_start3A_12 : memref<4x128xi32, #tpu.memory_space<hbm>>) target(%arg8 : memref<4x128xi32, #tpu.memory_space<vmem>>) target_semaphore(%run_scoped3A : memref<!tpu.dma_semaphore, #tpu.memory_space<semaphore_mem>>)
      %dma_wait3A = arith.constant 0 : i32
      %dma_wait3A_13 = arith.constant 0 : i32
      %dma_wait3A_14 = tpu.memref_slice %arg4[%add3A, %dma_wait3A, %dma_wait3A_13] : memref<32x4x128xi32, #tpu.memory_space<hbm>> -> memref<1x4x128xi32, #tpu.memory_space<hbm>>
      %dma_wait3A_15 = tpu.memref_squeeze %dma_wait3A_14 : memref<1x4x128xi32, #tpu.memory_space<hbm>> -> memref<4x128xi32, #tpu.memory_space<hbm>>
      %dma_wait3A_16 = arith.constant 0 : i32
      %dma_wait3A_17 = arith.constant 0 : i32
      %dma_wait3A_18 = tpu.memref_slice %arg4[%add3A, %dma_wait3A_16, %dma_wait3A_17] : memref<32x4x128xi32, #tpu.memory_space<hbm>> -> memref<1x4x128xi32, #tpu.memory_space<hbm>>
      %dma_wait3A_19 = tpu.memref_squeeze %dma_wait3A_18 : memref<1x4x128xi32, #tpu.memory_space<hbm>> -> memref<4x128xi32, #tpu.memory_space<hbm>>
      tpu.wait_dma2 semaphore(%run_scoped3A : memref<!tpu.dma_semaphore, #tpu.memory_space<semaphore_mem>>) src(%dma_wait3A_19 : memref<4x128xi32, #tpu.memory_space<hbm>>) dst(%arg8 : memref<4x128xi32, #tpu.memory_space<vmem>>)
      tpu.yield
    }) : () -> ()
    %scan3A = arith.constant 0 : i32
    %scan3A_1 = arith.constant 0 : i32
    %scan3A_2 = arith.constant 4 : i32
    %scan3A_3 = arith.addi %scan3A_1, %scan3A_2 : i32
    %scan3A_4 = arith.constant 1 : i32
    scf.for %scan3A_6 = %scan3A_1 to %scan3A_3 step %scan3A_4  : i32 {
      %mul3A_7 = arith.constant 512 : i32
      %mul3A_8 = arith.muli %add3A, %mul3A_7 : i32
      %mul3A_9 = arith.constant 128 : i32
      %mul3A_10 = arith.muli %scan3A_6, %mul3A_9 : i32
      %add3A_11 = arith.addi %mul3A_8, %mul3A_10 : i32
      %multiple_of3A = tpu.assume_multiple %add3A_11, 8 : i32
      %dma_start3A = arith.constant 0 : i32
      %dma_start3A_12 = tpu.memref_slice %arg7[%scan3A_6, %dma_start3A] : memref<4x128xi32, #tpu.memory_space<vmem>> -> memref<1x128xi32, #tpu.memory_space<vmem>>
      %dma_start3A_13 = tpu.memref_squeeze %dma_start3A_12 : memref<1x128xi32, #tpu.memory_space<vmem>> -> memref<128xi32, #tpu.memory_space<vmem>>
      %dma_start3A_14 = arith.constant 0 : i32
      %dma_start3A_15 = arith.constant 0 : i32
      %dma_start3A_16 = tpu.memref_slice %arg2[%dma_start3A_14, %dma_start3A_15] : memref<10240x128xf32, #tpu.memory_space<hbm>> -> memref<10240x128xf32, #tpu.memory_space<hbm>>
      tpu.enqueue_indirect_dma source(%dma_start3A_16 : memref<10240x128xf32, #tpu.memory_space<hbm>>) target(%arg9 : memref<128x128xf32, #tpu.memory_space<vmem>>) offsets(%dma_start3A_13 : memref<128xi32, #tpu.memory_space<vmem>>) semaphore(%arg11 : memref<!tpu.dma_semaphore, #tpu.memory_space<semaphore_mem>>)
      %dma_start3A_17 = arith.constant 0 : i32
      %dma_start3A_18 = tpu.memref_slice %arg8[%scan3A_6, %dma_start3A_17] : memref<4x128xi32, #tpu.memory_space<vmem>> -> memref<1x128xi32, #tpu.memory_space<vmem>>
      %dma_start3A_19 = tpu.memref_squeeze %dma_start3A_18 : memref<1x128xi32, #tpu.memory_space<vmem>> -> memref<128xi32, #tpu.memory_space<vmem>>
      %dma_start3A_20 = arith.constant 0 : i32
      %dma_start3A_21 = arith.constant 0 : i32
      %dma_start3A_22 = tpu.memref_slice %arg2[%dma_start3A_20, %dma_start3A_21] : memref<10240x128xf32, #tpu.memory_space<hbm>> -> memref<10240x128xf32, #tpu.memory_space<hbm>>
      tpu.enqueue_indirect_dma source(%dma_start3A_22 : memref<10240x128xf32, #tpu.memory_space<hbm>>) target(%arg10 : memref<128x128xf32, #tpu.memory_space<vmem>>) offsets(%dma_start3A_19 : memref<128xi32, #tpu.memory_space<vmem>>) semaphore(%arg12 : memref<!tpu.dma_semaphore, #tpu.memory_space<semaphore_mem>>)
      %dma_wait3A = arith.constant 0 : i32
      %dma_wait3A_23 = tpu.memref_slice %arg7[%scan3A_6, %dma_wait3A] : memref<4x128xi32, #tpu.memory_space<vmem>> -> memref<1x128xi32, #tpu.memory_space<vmem>>
      %dma_wait3A_24 = tpu.memref_squeeze %dma_wait3A_23 : memref<1x128xi32, #tpu.memory_space<vmem>> -> memref<128xi32, #tpu.memory_space<vmem>>
      %dma_wait3A_25 = arith.constant 0 : i32
      %dma_wait3A_26 = arith.constant 0 : i32
      %dma_wait3A_27 = tpu.memref_slice %arg2[%dma_wait3A_25, %dma_wait3A_26] : memref<10240x128xf32, #tpu.memory_space<hbm>> -> memref<10240x128xf32, #tpu.memory_space<hbm>>
      tpu.wait_indirect_dma semaphore(%arg11 : memref<!tpu.dma_semaphore, #tpu.memory_space<semaphore_mem>>) src(%dma_wait3A_27 : memref<10240x128xf32, #tpu.memory_space<hbm>>) dst(%arg9 : memref<128x128xf32, #tpu.memory_space<vmem>>)
      %dma_start3A_28 = arith.constant 0 : i32
      %dma_start3A_29 = tpu.memref_slice %arg5[%multiple_of3A, %dma_start3A_28] : memref<16384x128xf32, #tpu.memory_space<hbm>> -> memref<128x128xf32, #tpu.memory_space<hbm>>
      %dma_start3A_30 = arith.constant 0 : i32
      %dma_start3A_31 = tpu.memref_slice %arg5[%multiple_of3A, %dma_start3A_30] : memref<16384x128xf32, #tpu.memory_space<hbm>> -> memref<128x128xf32, #tpu.memory_space<hbm>>
      tpu.enqueue_dma source(%arg9 : memref<128x128xf32, #tpu.memory_space<vmem>>) target(%dma_start3A_31 : memref<128x128xf32, #tpu.memory_space<hbm>>) target_semaphore(%arg11 : memref<!tpu.dma_semaphore, #tpu.memory_space<semaphore_mem>>)
      %dma_wait3A_32 = arith.constant 0 : i32
      %dma_wait3A_33 = tpu.memref_slice %arg8[%scan3A_6, %dma_wait3A_32] : memref<4x128xi32, #tpu.memory_space<vmem>> -> memref<1x128xi32, #tpu.memory_space<vmem>>
      %dma_wait3A_34 = tpu.memref_squeeze %dma_wait3A_33 : memref<1x128xi32, #tpu.memory_space<vmem>> -> memref<128xi32, #tpu.memory_space<vmem>>
      %dma_wait3A_35 = arith.constant 0 : i32
      %dma_wait3A_36 = arith.constant 0 : i32
      %dma_wait3A_37 = tpu.memref_slice %arg2[%dma_wait3A_35, %dma_wait3A_36] : memref<10240x128xf32, #tpu.memory_space<hbm>> -> memref<10240x128xf32, #tpu.memory_space<hbm>>
      tpu.wait_indirect_dma semaphore(%arg12 : memref<!tpu.dma_semaphore, #tpu.memory_space<semaphore_mem>>) src(%dma_wait3A_37 : memref<10240x128xf32, #tpu.memory_space<hbm>>) dst(%arg10 : memref<128x128xf32, #tpu.memory_space<vmem>>)
      %dma_start3A_38 = arith.constant 0 : i32
      %dma_start3A_39 = tpu.memref_slice %arg6[%multiple_of3A, %dma_start3A_38] : memref<16384x128xf32, #tpu.memory_space<hbm>> -> memref<128x128xf32, #tpu.memory_space<hbm>>
      %dma_start3A_40 = arith.constant 0 : i32
      %dma_start3A_41 = tpu.memref_slice %arg6[%multiple_of3A, %dma_start3A_40] : memref<16384x128xf32, #tpu.memory_space<hbm>> -> memref<128x128xf32, #tpu.memory_space<hbm>>
      tpu.enqueue_dma source(%arg10 : memref<128x128xf32, #tpu.memory_space<vmem>>) target(%dma_start3A_41 : memref<128x128xf32, #tpu.memory_space<hbm>>) target_semaphore(%arg12 : memref<!tpu.dma_semaphore, #tpu.memory_space<semaphore_mem>>)
      %dma_wait3A_42 = arith.constant 0 : i32
      %dma_wait3A_43 = tpu.memref_slice %arg5[%multiple_of3A, %dma_wait3A_42] : memref<16384x128xf32, #tpu.memory_space<hbm>> -> memref<128x128xf32, #tpu.memory_space<hbm>>
      %dma_wait3A_44 = arith.constant 0 : i32
      %dma_wait3A_45 = tpu.memref_slice %arg5[%multiple_of3A, %dma_wait3A_44] : memref<16384x128xf32, #tpu.memory_space<hbm>> -> memref<128x128xf32, #tpu.memory_space<hbm>>
      tpu.wait_dma2 semaphore(%arg11 : memref<!tpu.dma_semaphore, #tpu.memory_space<semaphore_mem>>) src(%arg9 : memref<128x128xf32, #tpu.memory_space<vmem>>) dst(%dma_wait3A_45 : memref<128x128xf32, #tpu.memory_space<hbm>>)
      %dma_wait3A_46 = arith.constant 0 : i32
      %dma_wait3A_47 = tpu.memref_slice %arg6[%multiple_of3A, %dma_wait3A_46] : memref<16384x128xf32, #tpu.memory_space<hbm>> -> memref<128x128xf32, #tpu.memory_space<hbm>>
      %dma_wait3A_48 = arith.constant 0 : i32
      %dma_wait3A_49 = tpu.memref_slice %arg6[%multiple_of3A, %dma_wait3A_48] : memref<16384x128xf32, #tpu.memory_space<hbm>> -> memref<128x128xf32, #tpu.memory_space<hbm>>
      tpu.wait_dma2 semaphore(%arg12 : memref<!tpu.dma_semaphore, #tpu.memory_space<semaphore_mem>>) src(%arg10 : memref<128x128xf32, #tpu.memory_space<vmem>>) dst(%dma_wait3A_49 : memref<128x128xf32, #tpu.memory_space<hbm>>)
    }
    %scan3A_5 = arith.constant 4 : i32
    return
  }
}

module attributes {stable_mosaic.version = 14 : i64} {
  func.func @_tc_hs1_body(%arg0: i32, %arg1: memref<1024x128xf32, #tpu.memory_space<vmem>>, %arg2: memref<128x128xf32, #tpu.memory_space<vmem>>, %arg3: memref<2x1024x8xf32, #tpu.memory_space<vmem>>, %arg4: memref<1024x128xf32, #tpu.memory_space<vmem>>) attributes {dimension_semantics = [#tpu.dimension_semantics<arbitrary>], iteration_bounds = array<i64: 10>, scalar_prefetch = 0 : i64, scratch_operands = 0 : i64, tpu.core_type = #tpu.core_type<tc>, window_params = [{transform_indices = @transform_0, window_bounds = array<i64: 1024, 128>}, {pipeline_mode = #tpu.pipeline_mode<synchronous>, transform_indices = @transform_1, window_bounds = array<i64: 128, 128>}, {transform_indices = @transform_2, window_bounds = array<i64: 2, 1024, 8>}, {transform_indices = @transform_3, window_bounds = array<i64: 1024, 128>}]} {
    %get3A = arith.constant 0 : index
    %get3A_0 = arith.constant 0 : index
    %get3A_1 = vector.load %arg1[%get3A, %get3A_0] : memref<1024x128xf32, #tpu.memory_space<vmem>>, vector<1024x128xf32>
    %get3A_2 = arith.constant 0 : index
    %get3A_3 = arith.constant 0 : index
    %get3A_4 = vector.load %arg2[%get3A_2, %get3A_3] : memref<128x128xf32, #tpu.memory_space<vmem>>, vector<128x128xf32>
    %dot_general3A = arith.constant dense<0.000000e+00> : vector<1024x128xf32>
    %dot_general3A_5 = tpu.matmul %get3A_1, %get3A_4, %dot_general3A {dimension_numbers = #tpu.dot_dimension_numbers<[1], [0], [0], [1], [0, 0, 1, 1], [], []>, transpose_lhs_hint = false} : vector<1024x128xf32>, vector<128x128xf32>, vector<1024x128xf32> -> vector<1024x128xf32>
    %get3A_6 = arith.constant 0 : index
    %get3A_7 = arith.constant 0 : index
    %get3A_8 = arith.constant 0 : index
    %get3A_9 = vector.load %arg3[%get3A_6, %get3A_7, %get3A_8] : memref<2x1024x8xf32, #tpu.memory_space<vmem>>, vector<2x1024x8xf32>
    %slice3A = vector.extract_strided_slice %get3A_9 {offsets = [0, 0, 0], sizes = [1, 1024, 1], strides = [1, 1, 1]} : vector<2x1024x8xf32> to vector<1x1024x1xf32>
    %squeeze3A = vector.shape_cast %slice3A : vector<1x1024x1xf32> to vector<1024x1xf32>
    %slice3A_10 = vector.extract_strided_slice %get3A_9 {offsets = [1, 0, 0], sizes = [1, 1024, 1], strides = [1, 1, 1]} : vector<2x1024x8xf32> to vector<1x1024x1xf32>
    %squeeze3A_11 = vector.shape_cast %slice3A_10 : vector<1x1024x1xf32> to vector<1024x1xf32>
    %add3A = arith.addf %squeeze3A, %squeeze3A_11 : vector<1024x1xf32>
    %add3A_12 = arith.constant 1.000000e+00 : f32
    %add3A_13 = vector.broadcast %add3A_12 : f32 to vector<1024x1xf32>
    %add3A_14 = arith.addf %add3A, %add3A_13 : vector<1024x1xf32>
    %rsqrt3A = math.rsqrt %add3A_14 : vector<1024x1xf32>
    %mul3A = vector.broadcast %rsqrt3A : vector<1024x1xf32> to vector<1024x128xf32>
    %mul3A_15 = arith.mulf %dot_general3A_5, %mul3A : vector<1024x128xf32>
    %swap3A = arith.constant 0 : index
    %swap3A_16 = arith.constant 0 : index
    %swap3A_17 = vector.load %arg4[%swap3A, %swap3A_16] : memref<1024x128xf32, #tpu.memory_space<vmem>>, vector<1024x128xf32>
    tpu.vector_store %arg4[%swap3A, %swap3A_16], %mul3A_15 {strides = array<i32>} : memref<1024x128xf32, #tpu.memory_space<vmem>>, vector<1024x128xf32>,
    return
  }
  func.func @transform_0(%arg0: i32) -> (i32, i32) {
    %c0_i32 = arith.constant 0 : i32
    %c0_i32_0 = arith.constant 0 : i32
    return %arg0, %c0_i32 : i32, i32
  }
  func.func @transform_1(%arg0: i32) -> (i32, i32) {
    %c0_i32 = arith.constant 0 : i32
    %c0_i32_0 = arith.constant 0 : i32
    %c0_i32_1 = arith.constant 0 : i32
    return %c0_i32, %c0_i32_0 : i32, i32
  }
  func.func @transform_2(%arg0: i32) -> (i32, i32, i32) {
    %c0_i32 = arith.constant 0 : i32
    %c0_i32_0 = arith.constant 0 : i32
    %c0_i32_1 = arith.constant 0 : i32
    return %c0_i32, %arg0, %c0_i32_0 : i32, i32, i32
  }
  func.func @transform_3(%arg0: i32) -> (i32, i32) {
    %c0_i32 = arith.constant 0 : i32
    %c0_i32_0 = arith.constant 0 : i32
    return %arg0, %c0_i32 : i32, i32
  }
}

module attributes {stable_mosaic.version = 14 : i64} {
  func.func @_tc_mid_body(%arg0: i32, %arg1: memref<2x1024x128xf32, #tpu.memory_space<vmem>>, %arg2: memref<2x1024x8xf32, #tpu.memory_space<vmem>>, %arg3: memref<1x128xf32, #tpu.memory_space<vmem>>, %arg4: memref<128x128xf32, #tpu.memory_space<vmem>>, %arg5: memref<2x1024x128xf32, #tpu.memory_space<vmem>>) attributes {dimension_semantics = [#tpu.dimension_semantics<arbitrary>], iteration_bounds = array<i64: 10>, scalar_prefetch = 0 : i64, scratch_operands = 0 : i64, tpu.core_type = #tpu.core_type<tc>, window_params = [{transform_indices = @transform_0, window_bounds = array<i64: 2, 1024, 128>}, {transform_indices = @transform_1, window_bounds = array<i64: 2, 1024, 8>}, {pipeline_mode = #tpu.pipeline_mode<synchronous>, transform_indices = @transform_2, window_bounds = array<i64: 1, 128>}, {pipeline_mode = #tpu.pipeline_mode<synchronous>, transform_indices = @transform_3, window_bounds = array<i64: 128, 128>}, {transform_indices = @transform_4, window_bounds = array<i64: 2, 1024, 128>}]} {
    %get3A = arith.constant 0 : index
    %get3A_0 = arith.constant 0 : index
    %get3A_1 = arith.constant 0 : index
    %get3A_2 = vector.load %arg2[%get3A, %get3A_0, %get3A_1] : memref<2x1024x8xf32, #tpu.memory_space<vmem>>, vector<2x1024x8xf32>
    %slice3A = vector.extract_strided_slice %get3A_2 {offsets = [0, 0, 0], sizes = [1, 1024, 1], strides = [1, 1, 1]} : vector<2x1024x8xf32> to vector<1x1024x1xf32>
    %squeeze3A = vector.shape_cast %slice3A : vector<1x1024x1xf32> to vector<1024x1xf32>
    %slice3A_3 = vector.extract_strided_slice %get3A_2 {offsets = [1, 0, 0], sizes = [1, 1024, 1], strides = [1, 1, 1]} : vector<2x1024x8xf32> to vector<1x1024x1xf32>
    %squeeze3A_4 = vector.shape_cast %slice3A_3 : vector<1x1024x1xf32> to vector<1024x1xf32>
    %add3A = arith.addf %squeeze3A, %squeeze3A_4 : vector<1024x1xf32>
    %add3A_5 = arith.constant 1.000000e+00 : f32
    %add3A_6 = vector.broadcast %add3A_5 : f32 to vector<1024x1xf32>
    %add3A_7 = arith.addf %add3A, %add3A_6 : vector<1024x1xf32>
    %rsqrt3A = math.rsqrt %add3A_7 : vector<1024x1xf32>
    %get3A_8 = arith.constant 0 : index
    %get3A_9 = arith.constant 0 : index
    %get3A_10 = arith.constant 0 : index
    %get3A_11 = vector.load %arg1[%get3A_8, %get3A_9, %get3A_10] : memref<2x1024x128xf32, #tpu.memory_space<vmem>>, vector<1x1024x128xf32>
    %get3A_12 = vector.shape_cast %get3A_11 : vector<1x1024x128xf32> to vector<1024x128xf32>
    %get3A_13 = arith.constant 1 : index
    %get3A_14 = arith.constant 0 : index
    %get3A_15 = arith.constant 0 : index
    %get3A_16 = vector.load %arg1[%get3A_13, %get3A_14, %get3A_15] : memref<2x1024x128xf32, #tpu.memory_space<vmem>>, vector<1x1024x128xf32>
    %get3A_17 = vector.shape_cast %get3A_16 : vector<1x1024x128xf32> to vector<1024x128xf32>
    %add3A_18 = arith.addf %get3A_12, %get3A_17 : vector<1024x128xf32>
    %mul3A = vector.broadcast %rsqrt3A : vector<1024x1xf32> to vector<1024x128xf32>
    %mul3A_19 = arith.mulf %add3A_18, %mul3A : vector<1024x128xf32>
    %get3A_20 = arith.constant 0 : index
    %get3A_21 = arith.constant 0 : index
    %get3A_22 = vector.load %arg3[%get3A_20, %get3A_21] : memref<1x128xf32, #tpu.memory_space<vmem>>, vector<1x128xf32>
    %add3A_23 = vector.broadcast %get3A_22 : vector<1x128xf32> to vector<1024x128xf32>
    %add3A_24 = arith.addf %mul3A_19, %add3A_23 : vector<1024x128xf32>
    %max3A = arith.constant 0.000000e+00 : f32
    %max3A_25 = vector.broadcast %max3A : f32 to vector<1024x128xf32>
    %max3A_26 = arith.maximumf %add3A_24, %max3A_25 : vector<1024x128xf32>
    %get3A_27 = arith.constant 0 : index
    %get3A_28 = arith.constant 0 : index
    %get3A_29 = vector.load %arg4[%get3A_27, %get3A_28] : memref<128x128xf32, #tpu.memory_space<vmem>>, vector<128x128xf32>
    %dot_general3A = arith.constant dense<0.000000e+00> : vector<1024x128xf32>
    %dot_general3A_30 = tpu.matmul %max3A_26, %get3A_29, %dot_general3A {dimension_numbers = #tpu.dot_dimension_numbers<[1], [0], [0], [1], [0, 0, 1, 1], [], []>, transpose_lhs_hint = false} : vector<1024x128xf32>, vector<128x128xf32>, vector<1024x128xf32> -> vector<1024x128xf32>
    %mul3A_31 = vector.broadcast %rsqrt3A : vector<1024x1xf32> to vector<1024x128xf32>
    %mul3A_32 = arith.mulf %dot_general3A_30, %mul3A_31 : vector<1024x128xf32>
    %swap3A = arith.constant 0 : index
    %swap3A_33 = arith.constant 0 : index
    %swap3A_34 = arith.constant 0 : index
    %swap3A_35 = vector.load %arg5[%swap3A, %swap3A_33, %swap3A_34] : memref<2x1024x128xf32, #tpu.memory_space<vmem>>, vector<1x1024x128xf32>
    %swap3A_36 = vector.shape_cast %swap3A_35 : vector<1x1024x128xf32> to vector<1024x128xf32>
    %swap3A_37 = vector.shape_cast %mul3A_32 : vector<1024x128xf32> to vector<1x1024x128xf32>
    tpu.vector_store %arg5[%swap3A, %swap3A_33, %swap3A_34], %swap3A_37 {strides = array<i32>} : memref<2x1024x128xf32, #tpu.memory_space<vmem>>, vector<1x1024x128xf32>,
    %broadcast_in_dim3A = arith.constant 0.000000e+00 : f32
    %broadcast_in_dim3A_38 = vector.broadcast %broadcast_in_dim3A : f32 to vector<1024x64xf32>
    %slice3A_39 = vector.extract_strided_slice %mul3A_32 {offsets = [0, 0], sizes = [1024, 64], strides = [1, 1]} : vector<1024x128xf32> to vector<1024x64xf32>
    %concatenate3A = tpu.concatenate %broadcast_in_dim3A_38, %slice3A_39 in 1 : vector<1024x64xf32>, vector<1024x64xf32> -> vector<1024x128xf32>
    %swap3A_40 = arith.constant 1 : index
    %swap3A_41 = arith.constant 0 : index
    %swap3A_42 = arith.constant 0 : index
    %swap3A_43 = vector.load %arg5[%swap3A_40, %swap3A_41, %swap3A_42] : memref<2x1024x128xf32, #tpu.memory_space<vmem>>, vector<1x1024x128xf32>
    %swap3A_44 = vector.shape_cast %swap3A_43 : vector<1x1024x128xf32> to vector<1024x128xf32>
    %swap3A_45 = vector.shape_cast %concatenate3A : vector<1024x128xf32> to vector<1x1024x128xf32>
    tpu.vector_store %arg5[%swap3A_40, %swap3A_41, %swap3A_42], %swap3A_45 {strides = array<i32>} : memref<2x1024x128xf32, #tpu.memory_space<vmem>>, vector<1x1024x128xf32>,
    return
  }
  func.func @transform_0(%arg0: i32) -> (i32, i32, i32) {
    %c0_i32 = arith.constant 0 : i32
    %c0_i32_0 = arith.constant 0 : i32
    %c0_i32_1 = arith.constant 0 : i32
    return %c0_i32, %arg0, %c0_i32_0 : i32, i32, i32
  }
  func.func @transform_1(%arg0: i32) -> (i32, i32, i32) {
    %c0_i32 = arith.constant 0 : i32
    %c0_i32_0 = arith.constant 0 : i32
    %c0_i32_1 = arith.constant 0 : i32
    return %c0_i32, %arg0, %c0_i32_0 : i32, i32, i32
  }
  func.func @transform_2(%arg0: i32) -> (i32, i32) {
    %c0_i32 = arith.constant 0 : i32
    %c0_i32_0 = arith.constant 0 : i32
    %c0_i32_1 = arith.constant 0 : i32
    return %c0_i32, %c0_i32_0 : i32, i32
  }
  func.func @transform_3(%arg0: i32) -> (i32, i32) {
    %c0_i32 = arith.constant 0 : i32
    %c0_i32_0 = arith.constant 0 : i32
    %c0_i32_1 = arith.constant 0 : i32
    return %c0_i32, %c0_i32_0 : i32, i32
  }
  func.func @transform_4(%arg0: i32) -> (i32, i32, i32) {
    %c0_i32 = arith.constant 0 : i32
    %c0_i32_0 = arith.constant 0 : i32
    %c0_i32_1 = arith.constant 0 : i32
    return %c0_i32, %arg0, %c0_i32_0 : i32, i32, i32
  }
}

module attributes {stable_mosaic.version = 14 : i64} {
  func.func @_tc_z2_body(%arg0: i32, %arg1: memref<2x1024x64xf32, #tpu.memory_space<vmem>>, %arg2: memref<2x1024x8xf32, #tpu.memory_space<vmem>>, %arg3: memref<1024x64xf32, #tpu.memory_space<vmem>>, %arg4: memref<1x64xf32, #tpu.memory_space<vmem>>, %arg5: memref<1024x128xf32, #tpu.memory_space<vmem>>) attributes {dimension_semantics = [#tpu.dimension_semantics<arbitrary>], iteration_bounds = array<i64: 10>, scalar_prefetch = 0 : i64, scratch_operands = 0 : i64, tpu.core_type = #tpu.core_type<tc>, window_params = [{transform_indices = @transform_0, window_bounds = array<i64: 2, 1024, 64>}, {transform_indices = @transform_1, window_bounds = array<i64: 2, 1024, 8>}, {transform_indices = @transform_2, window_bounds = array<i64: 1024, 64>}, {pipeline_mode = #tpu.pipeline_mode<synchronous>, transform_indices = @transform_3, window_bounds = array<i64: 1, 64>}, {transform_indices = @transform_4, window_bounds = array<i64: 1024, 128>}]} {
    %get3A = arith.constant 0 : index
    %get3A_0 = arith.constant 0 : index
    %get3A_1 = arith.constant 0 : index
    %get3A_2 = vector.load %arg2[%get3A, %get3A_0, %get3A_1] : memref<2x1024x8xf32, #tpu.memory_space<vmem>>, vector<2x1024x8xf32>
    %slice3A = vector.extract_strided_slice %get3A_2 {offsets = [0, 0, 0], sizes = [1, 1024, 1], strides = [1, 1, 1]} : vector<2x1024x8xf32> to vector<1x1024x1xf32>
    %squeeze3A = vector.shape_cast %slice3A : vector<1x1024x1xf32> to vector<1024x1xf32>
    %slice3A_3 = vector.extract_strided_slice %get3A_2 {offsets = [1, 0, 0], sizes = [1, 1024, 1], strides = [1, 1, 1]} : vector<2x1024x8xf32> to vector<1x1024x1xf32>
    %squeeze3A_4 = vector.shape_cast %slice3A_3 : vector<1x1024x1xf32> to vector<1024x1xf32>
    %add3A = arith.addf %squeeze3A, %squeeze3A_4 : vector<1024x1xf32>
    %add3A_5 = arith.constant 1.000000e+00 : f32
    %add3A_6 = vector.broadcast %add3A_5 : f32 to vector<1024x1xf32>
    %add3A_7 = arith.addf %add3A, %add3A_6 : vector<1024x1xf32>
    %rsqrt3A = math.rsqrt %add3A_7 : vector<1024x1xf32>
    %get3A_8 = arith.constant 0 : index
    %get3A_9 = arith.constant 0 : index
    %get3A_10 = arith.constant 0 : index
    %get3A_11 = vector.load %arg1[%get3A_8, %get3A_9, %get3A_10] : memref<2x1024x64xf32, #tpu.memory_space<vmem>>, vector<1x1024x64xf32>
    %get3A_12 = vector.shape_cast %get3A_11 : vector<1x1024x64xf32> to vector<1024x64xf32>
    %get3A_13 = arith.constant 1 : index
    %get3A_14 = arith.constant 0 : index
    %get3A_15 = arith.constant 0 : index
    %get3A_16 = vector.load %arg1[%get3A_13, %get3A_14, %get3A_15] : memref<2x1024x64xf32, #tpu.memory_space<vmem>>, vector<1x1024x64xf32>
    %get3A_17 = vector.shape_cast %get3A_16 : vector<1x1024x64xf32> to vector<1024x64xf32>
    %add3A_18 = arith.addf %get3A_12, %get3A_17 : vector<1024x64xf32>
    %get3A_19 = arith.constant 0 : index
    %get3A_20 = arith.constant 0 : index
    %get3A_21 = vector.load %arg3[%get3A_19, %get3A_20] : memref<1024x64xf32, #tpu.memory_space<vmem>>, vector<1024x64xf32>
    %add3A_22 = arith.addf %add3A_18, %get3A_21 : vector<1024x64xf32>
    %mul3A = vector.broadcast %rsqrt3A : vector<1024x1xf32> to vector<1024x64xf32>
    %mul3A_23 = arith.mulf %add3A_22, %mul3A : vector<1024x64xf32>
    %get3A_24 = arith.constant 0 : index
    %get3A_25 = arith.constant 0 : index
    %get3A_26 = vector.load %arg4[%get3A_24, %get3A_25] : memref<1x64xf32, #tpu.memory_space<vmem>>, vector<1x64xf32>
    %add3A_27 = vector.broadcast %get3A_26 : vector<1x64xf32> to vector<1024x64xf32>
    %add3A_28 = arith.addf %mul3A_23, %add3A_27 : vector<1024x64xf32>
    %broadcast_in_dim3A = arith.constant 0.000000e+00 : f32
    %broadcast_in_dim3A_29 = vector.broadcast %broadcast_in_dim3A : f32 to vector<1024x64xf32>
    %concatenate3A = tpu.concatenate %add3A_28, %broadcast_in_dim3A_29 in 1 : vector<1024x64xf32>, vector<1024x64xf32> -> vector<1024x128xf32>
    %swap3A = arith.constant 0 : index
    %swap3A_30 = arith.constant 0 : index
    %swap3A_31 = vector.load %arg5[%swap3A, %swap3A_30] : memref<1024x128xf32, #tpu.memory_space<vmem>>, vector<1024x128xf32>
    tpu.vector_store %arg5[%swap3A, %swap3A_30], %concatenate3A {strides = array<i32>} : memref<1024x128xf32, #tpu.memory_space<vmem>>, vector<1024x128xf32>,
    return
  }
  func.func @transform_0(%arg0: i32) -> (i32, i32, i32) {
    %c0_i32 = arith.constant 0 : i32
    %c0_i32_0 = arith.constant 0 : i32
    %c0_i32_1 = arith.constant 0 : i32
    return %c0_i32, %arg0, %c0_i32_0 : i32, i32, i32
  }
  func.func @transform_1(%arg0: i32) -> (i32, i32, i32) {
    %c0_i32 = arith.constant 0 : i32
    %c0_i32_0 = arith.constant 0 : i32
    %c0_i32_1 = arith.constant 0 : i32
    return %c0_i32, %arg0, %c0_i32_0 : i32, i32, i32
  }
  func.func @transform_2(%arg0: i32) -> (i32, i32) {
    %c0_i32 = arith.constant 0 : i32
    %c0_i32_0 = arith.constant 0 : i32
    return %arg0, %c0_i32 : i32, i32
  }
  func.func @transform_3(%arg0: i32) -> (i32, i32) {
    %c0_i32 = arith.constant 0 : i32
    %c0_i32_0 = arith.constant 0 : i32
    %c0_i32_1 = arith.constant 0 : i32
    return %c0_i32, %c0_i32_0 : i32, i32
  }
  func.func @transform_4(%arg0: i32) -> (i32, i32) {
    %c0_i32 = arith.constant 0 : i32
    %c0_i32_0 = arith.constant 0 : i32
    return %arg0, %c0_i32 : i32, i32
  }
}

module attributes {stable_mosaic.version = 14 : i64} {
  func.func @_tc_dot_body(%arg0: i32, %arg1: memref<2048x128xf32, #tpu.memory_space<vmem>>, %arg2: memref<2048x128xf32, #tpu.memory_space<vmem>>, %arg3: memref<2048x1xf32, #tpu.memory_space<vmem>>) attributes {dimension_semantics = [#tpu.dimension_semantics<arbitrary>], iteration_bounds = array<i64: 8>, scalar_prefetch = 0 : i64, scratch_operands = 0 : i64, tpu.core_type = #tpu.core_type<tc>, window_params = [{transform_indices = @transform_0, window_bounds = array<i64: 2048, 128>}, {transform_indices = @transform_1, window_bounds = array<i64: 2048, 128>}, {transform_indices = @transform_2, window_bounds = array<i64: 2048, 1>}]} {
    %get3A = arith.constant 0 : index
    %get3A_0 = arith.constant 0 : index
    %get3A_1 = vector.load %arg1[%get3A, %get3A_0] : memref<2048x128xf32, #tpu.memory_space<vmem>>, vector<2048x128xf32>
    %get3A_2 = arith.constant 0 : index
    %get3A_3 = arith.constant 0 : index
    %get3A_4 = vector.load %arg2[%get3A_2, %get3A_3] : memref<2048x128xf32, #tpu.memory_space<vmem>>, vector<2048x128xf32>
    %mul3A = arith.mulf %get3A_1, %get3A_4 : vector<2048x128xf32>
    %reduce_sum3A = arith.constant dense<0.000000e+00> : vector<2048xf32>
    %reduce_sum3A_5 = vector.multi_reduction <add>, %mul3A, %reduce_sum3A [1] : vector<2048x128xf32> to vector<2048xf32>
    %broadcast_in_dim3A = vector.shape_cast %reduce_sum3A_5 : vector<2048xf32> to vector<2048x1xf32>
    %swap3A = arith.constant 0 : index
    %swap3A_6 = arith.constant 0 : index
    %swap3A_7 = vector.load %arg3[%swap3A, %swap3A_6] : memref<2048x1xf32, #tpu.memory_space<vmem>>, vector<2048x1xf32>
    tpu.vector_store %arg3[%swap3A, %swap3A_6], %broadcast_in_dim3A {strides = array<i32>} : memref<2048x1xf32, #tpu.memory_space<vmem>>, vector<2048x1xf32>,
    return
  }
  func.func @transform_0(%arg0: i32) -> (i32, i32) {
    %c0_i32 = arith.constant 0 : i32
    %c0_i32_0 = arith.constant 0 : i32
    return %arg0, %c0_i32 : i32, i32
  }
  func.func @transform_1(%arg0: i32) -> (i32, i32) {
    %c0_i32 = arith.constant 0 : i32
    %c0_i32_0 = arith.constant 0 : i32
    return %arg0, %c0_i32 : i32, i32
  }
  func.func @transform_2(%arg0: i32) -> (i32, i32) {
    %c0_i32 = arith.constant 0 : i32
    %c0_i32_0 = arith.constant 0 : i32
    return %arg0, %c0_i32 : i32, i32
  }
}

</mosaic_0001>

<sc_bundles>
// kernel: kernel.10.cloned.1.call-start
scs
__scs_entry_jumppad:
0x0: {  	(pc) =	sbr.rel $0x88, $3  }
0x1: {  	(tag) =	ssettag $0x0;
	lr =	simm.s32 $0x1  }
0x2: {  	[smem:$0x3F9A] =	sst lr;
	_ =	strace $0xD0000000  }
0x3: {  	_ = 	snop  }
0x4: {  	_ = 	snop  }
0x5: {  	_ = 	snop  }
0x6: {  	_ = 	snop  }
0x7: {  	_ = 	snop  }
__scs_overlays_trampoline_lowered:
0x8: {  	[smem:$0x3FA9] =	sst s0  }
0x9: {  	[smem:$0x3FAA] =	sst s1  }
0xa: {  	[smem:$0x3FAB] =	sst s2  }
0xb: {  	[smem:$0x3FAC] =	sst s3  }
0xc: {  	[smem:$0x3FAD] =	sst s4  }
0xd: {  	[smem:$0x3FAE] =	sst s5  }
0xe: {  	[smem:$0x3FAF] =	sst s6  }
0xf: {  	[smem:$0x3FB0] =	sst s7  }
0x10: {  	[smem:$0x3FB1] =	sst s8  }
0x11: {  	[smem:$0x3FB2] =	sst s9;
	s0 =	simm.s32 @!p0 $0x0  }
0x12: {  	s1 =	sld [smem:$0x3F98];
	s0 =	simm.s32 @p0 $0x1  }
0x13: {  	[smem:$0x3FB3] =	sst s0;
	s0 =	simm.s32 @!p1 $0x0  }
0x14: {  	s2 =	sld [smem:$0x3F97];
	s0 =	simm.s32 @p1 $0x1  }
0x15: {  	[smem:$0x3FB4] =	sst s0;
	s0 =	simm.s32 @!p2 $0x0  }
0x16: {  	s3 =	sld [smem:$0x3FDB];
	s0 =	simm.s32 @p2 $0x1  }
0x17: {  	s4 =	simm.s32 $0x1BF5;
	[smem:$0x3FB6] =	sst s0  }
0x18: {  	s0 =	sld [smem:$0x3F99];
	_ =	swait.ge [sflag:s4], $0x0  }
0x19: {  	s7 =	sld [smem:$0x3F9A]  }
0x1a: {  	s8 =	sadd.s32 $0xFFFFE003, lr  }
0x1b: {  	s9 =	sadd.s32 $0xFFFFFEF7, lr;
	s5 =	simm.s32 $0xFFFFFFFF;
	p2 =	slt.u32 s8, $0xFFFFF086  }
0x1c: {  	p1 =	slt.u32 s9, $0xF7A;
	s5 =	simm.s32 @!p2 $0x0  }
0x1d: {  	s5 =	simm.s32 @p1 $0x1;
	p0 =	seq.s32 s7, s2  }
0x1e: {  	s7 =	smul.u32 @!p0 $0xF7A, s2;
	p2 =	seq.s32 @!p0 s5, $0x0  }
0x1f: {  	s9 =	smul.u32 $0xF7A, s1;
	s8 =	simm.s32 @!p0 $0x1BF5;
	p2 =	por !p2, p0  }
0x20: {  	[sflag:s8] =	ssyncset.s32 @!p0 $0xFFFFF086;
	s6 =	sadd.s32 @!p0 s3, s7;
	s7 =	simm.s32 @!p0 $0x108  }
0x21: {  	s3 =	sadd.s32 s3, s9;
	s6 =	sadd.s32 @!p0 $0x88, s6;
	s7 =	simm.s32 @p2 $0x1082  }
0x22: {  	[simem:s7], [sflag:s8] =	dma.local @!p0 [hbm:s6], $0xF7A  }
0x23: {  	s9 =	sor.u32 $0xD0000000, s2;
	s6 =	simm.s32 $0x108;
	_ =	swait.ge @!p0 [sflag:s8], $0x0  }
0x24: {  	s3 =	sadd.s32 $0x88, s3;
	s6 =	simm.s32 @!p1 $0x1082;
	[sflag:s4] =	ssyncset.s32 $0xFFFFF086  }
0x25: {  	[simem:s6], [sflag:s4] =	dma.local [hbm:s3], $0xF7A  }
0x26: {  	[smem:$0x3F9A] =	sst s1;
	(tag) =	ssettag s2;
	_ =	strace s9  }
0x27: {  	s1 =	sld [smem:$0x3FAA]  }
0x28: {  	s2 =	sld [smem:$0x3FAB]  }
0x29: {  	s4 =	sld [smem:$0x3FAD]  }
0x2a: {  	p0 =	seq.s32 s5, $0x0;
	s5 =	sld [smem:$0x3FAE]  }
0x2b: {  	s6 =	sld [smem:$0x3FAF]  }
0x2c: {  	s7 =	sld [smem:$0x3FB0]  }
0x2d: {  	s3 =	simm.s32 $0x108;
	s8 =	sld [smem:$0x3FB1]  }
0x2e: {  	s3 =	simm.s32 @!p0 $0x1082;
	s9 =	sld [smem:$0x3FB2]  }
0x2f: {  	lr =	sadd.s32 s0, s3;
	s0 =	sld [smem:$0x3FA9]  }
0x30: {  	s3 =	sld [smem:$0x3FAC]  }
0x31: {  	[smem:$0x3FB5] =	sst s10  }
0x32: {  	s10 =	sld [smem:$0x3FB3];
	_ =	sdelay $0x3  }
0x33: {  	p0 =	seq.s32 s10, $0x1;
	s10 =	sld [smem:$0x3FB5];
	_ =	sdelay $0x3  }
0x34: {  	[smem:$0x3FB5] =	sst s10  }
0x35: {  	s10 =	sld [smem:$0x3FB4];
	_ =	sdelay $0x3  }
0x36: {  	p1 =	seq.s32 s10, $0x1;
	s10 =	sld [smem:$0x3FB5];
	_ =	sdelay $0x3  }
0x37: {  	[smem:$0x3FB5] =	sst s10  }
0x38: {  	s10 =	sld [smem:$0x3FB6]  }
0x39: {  	_ = 	snop;
	(pc) =	sbr.ind lr, $3  }
0x3a: {  	_ = 	snop  }
0x3b: {  	_ = 	snop  }
0x3c: {  	p2 =	seq.s32 s10, $0x1;
	s10 =	sld [smem:$0x3FB5]  }
0x3d: {  	_ =	shalt  }
0x3e: {  	_ =	shalt  }
0x3f: {  	_ =	shalt  }
0x40: {  	_ =	shalt  }
0x41: {  	_ =	shalt  }
0x42: {  	_ =	shalt  }
0x43: {  	_ =	shalt  }
0x44: {  	_ =	shalt  }
0x45: {  	_ =	shalt  }
0x46: {  	_ =	shalt  }
0x47: {  	_ =	shalt  }
0x48: {  	_ =	shalt  }
0x49: {  	_ =	shalt  }
0x4a: {  	_ =	shalt  }
0x4b: {  	_ =	shalt  }
0x4c: {  	_ =	shalt  }
0x4d: {  	_ =	shalt  }
0x4e: {  	_ =	shalt  }
0x4f: {  	_ =	shalt  }
0x50: {  	_ =	shalt  }
0x51: {  	_ =	shalt  }
0x52: {  	_ =	shalt  }
0x53: {  	_ =	shalt  }
0x54: {  	_ =	shalt  }
0x55: {  	_ =	shalt  }
0x56: {  	_ =	shalt  }
0x57: {  	_ =	shalt  }
0x58: {  	_ =	shalt  }
0x59: {  	_ =	shalt  }
0x5a: {  	_ =	shalt  }
0x5b: {  	_ =	shalt  }
0x5c: {  	_ =	shalt  }
0x5d: {  	_ =	shalt  }
0x5e: {  	_ =	shalt  }
0x5f: {  	_ =	shalt  }
0x60: {  	_ =	shalt  }
0x61: {  	_ =	shalt  }
0x62: {  	_ =	shalt  }
0x63: {  	_ =	shalt  }
0x64: {  	_ =	shalt  }
0x65: {  	_ =	shalt  }
0x66: {  	_ =	shalt  }
0x67: {  	_ =	shalt  }
0x68: {  	_ =	shalt  }
0x69: {  	_ =	shalt  }
0x6a: {  	_ =	shalt  }
0x6b: {  	_ =	shalt  }
0x6c: {  	_ =	shalt  }
0x6d: {  	_ =	shalt  }
0x6e: {  	_ =	shalt  }
0x6f: {  	_ =	shalt  }
0x70: {  	_ =	shalt  }
0x71: {  	_ =	shalt  }
0x72: {  	_ =	shalt  }
0x73: {  	_ =	shalt  }
0x74: {  	_ =	shalt  }
0x75: {  	_ =	shalt  }
0x76: {  	_ =	shalt  }
0x77: {  	_ =	shalt  }
0x78: {  	_ =	shalt  }
0x79: {  	_ =	shalt  }
0x7a: {  	_ =	shalt  }
0x7b: {  	_ =	shalt  }
0x7c: {  	_ =	shalt  }
0x7d: {  	_ =	shalt  }
0x7e: {  	_ =	shalt  }
0x7f: {  	_ =	shalt  }
0x80: {  	_ =	shalt  }
0x81: {  	_ =	shalt  }
0x82: {  	_ =	shalt  }
0x83: {  	_ =	shalt  }
0x84: {  	_ =	shalt  }
0x85: {  	_ =	shalt  }
0x86: {  	_ =	shalt  }
0x87: {  	_ =	shalt  }
.Lfunc_end0:
.L_simem_size_0:
called_computation_lowered:
.L_overlay_start_0:
0x88: {  	s2 =	sld [smem:$0x3FD9]  }
0x89: {  	s3 =	sld [smem:$0x3FFE];
	_ =	sdelay $0x1  }
0x8a: {  	s1 =	srdreg.scid  }
0x8b: {  	s0 =	sand.u32 $0x1, s1  }
0x8c: {  	s17 =	sshll.u32 s0, $0xA;
	s2 =	sadd.s32 s3, s2  }
0x8d: {  	s2 =	sadd.s32 s2, s17  }
0x8e: {  	[smem:$0x3FC1] =	sst s2  }
0x8f: {  	_ = 	snop  }
0x90: {  	s2 =	sld [smem:$0x3FD0];
	(tm) =	ssettm $0x1  }
0x91: {  	s18 =	sld [smem:$0x3FFB];
	_ =	sdelay $0x3  }
0x92: {  	_ =	strace s18  }
0x93: {  	s3 =	sld [smem:$0x3FFC];
	_ =	sdelay $0x3  }
0x94: {  	_ =	strace s3  }
0x95: {  	s3 =	sld [smem:$0x3FFD];
	_ =	sdelay $0x3  }
0x96: {  	_ =	strace s3  }
0x97: {  	_ =	strace $0x8FFFFFFF  }
0x98: {  	s19 =	sld [smem:$0x3FDB];
	_ =	sdelay $0x1  }
0x99: {  	s4 =	simm.s32 $_scs_section_size  }
0x9a: {  	s5 =	simm.s32 $_size__tile_overlayer_lowered;
	s6 =	simm.s32 $_tile_overlayer_lowered  }
0x9b: {  	s22 =	simm.s32 $0x1BFF;
	s21 =	sshll.u32 s6, $0x1;
	s3 =	sadd.s32 s4, s19  }
0x9c: {  	s7 =	simm.s32 $0x0;
	s20 =	sshll.u32 s5, $0x1;
	s5 =	sadd.s32 s21, s3  }
0x9d: {  	[timem:s7], [sflag:s22] =	dma.local [hbm:s5], s20  }
0x9e: {  	_ =	swait.ge [sflag:s22], s20  }
0x9f: {  	s4 =	ssub.s32 $0x0, s20;
	[sflag:s22] =	ssyncset.done $0x0  }
0xa0: {  	[sflag:s22] =	ssyncadd.s32 s4;
	_ =	sdelay $0x1  }
0xa1: {  	s23 =	simm.s32 $0x1B8B  }
0xa2: {  	_ =	swait.ge [sflag:s23], $0x1  }
0xa3: {  	[sflag:s23] =	ssyncset.done $0x0  }
0xa4: {  	s25 =	simm.s32 $0x1B8E;
	s24 =	sld [smem:$0x3FFE];
	[sflag:s23] =	ssyncadd.s32 $0xFFFFFFFF  }
0xa5: {  	s26 =	simm.s32 $execute0_lowered;
	[smem:$0x3FD2] =	sst s25  }
0xa6: {  	s5 =	sshll.u32 s26, $0x1;
	_ =	strace $0x80000046;
	[dreg:$0x1] =	wrdreg $0xFFFFFFFF  }
0xa7: {  	s28 =	simm.s32 $_size_execute0_lowered;
	s3 =	sadd.s32 s3, s5;
	[dreg:$0x0] =	wrdreg $0x0  }
0xa8: {  	s5 =	sshll.u32 s28, $0x1;
	[dreg:$0x2] =	wrdreg s3  }
0xa9: {  	[dreg:$0x3] =	wrdreg s5  }
0xaa: {  	[dreg:$0x4] =	wrdreg $0xC0  }
0xab: {  	_ =	task [dreg:s7], $0x5FFFF  }
0xac: {  	[dreg:$0x1] =	wrdreg $0xFFFFFFFF  }
0xad: {  	[dreg:$0x0] =	wrdreg $0x60  }
0xae: {  	[dreg:$0x2] =	wrdreg s24  }
0xaf: {  	[dreg:$0x3] =	wrdreg s2  }
0xb0: {  	[dreg:$0x4] =	wrdreg $0x68000  }
0xb1: {  	[dreg:$0x5] =	wrdreg $0x9  }
0xb2: {  	_ =	task.clear_ibuf [dreg:s7], $0x6FFFF;
	_ =	strace $0x90000046  }
0xb3: {  	s29 =	simm.s32 $0x9;
	_ =	strace $0x80000048  }
0xb4: {  	_ =	swait.ge [sflag:s29], $0x1  }
0xb5: {  	[sflag:s29] =	ssyncadd.s32 $0xFFFFFFFF  }
0xb6: {  	_ =	strace $0x90000048  }
0xb7: {  	_ =	sfence  }
0xb8: {  	s30 =	sld [smem:$0x0];
	_ =	sdelay $0x2  }
0xb9: {  	s31 =	sshll.u32 s1, $0xD;
	s1 =	sshrl.u32 s1, $0x2  }
0xba: {  	s3 =	sand.u32 $0x4000, s31;
	s1 =	sadd.s32 s1, s30  }
0xbb: {  	s0 =	sor.u32 s3, s0;
	s1 =	sshll.u32 s1, $0x11  }
0xbc: {  	s0 =	sor.u32 s1, s0  }
0xbd: {  	s0 =	sadd.s32 $0x8F2B, s0  }
0xbe: {  	[sflag:s0] =	ssyncadd.remote.s32 $0x1  }
0xbf: {  	_ =	sfence.sel $0xFFFF  }
0xc0: {  	[dreg:$0x0] =	wrdreg $0xFFFFFFFF;
	(pc) =	sbr.abs _section_cstart, $3  }
0xc1: {  	[dreg:$0x1] =	wrdreg $0xFFFFFFFF  }
0xc2: {  	_ =	task.clear_ibuf [dreg:s7], $0x2FFFF;
	_ =	strace $0x9FFFFFFF  }
0xc3: {  	(tm) =	ssettm $0x7FFFFFFF  }
tec
execute0_lowered:
.L_overlay_start_1:
0x0: {  	(tag) =	ssettag $0x1  }
0x1: {  	s5 =	rddreg [dreg:$0x0]  }
0x2: {  	s1 =	srdreg.scid;
	s2 =	rddreg [dreg:$0x1]  }
0x3: {  	s0 =	stileid.u32;
	s3 =	rddreg [dreg:$0x2]  }
0x4: {  	s4 =	simm.s32 $0x0;
	s13 =	simm.s32 $0x80;
	s14 =	simm.s32 $0x0  }
0x5: {  	s6 =	sand.u32 $0x1, s1;
	s28 =	sshll.u32 s0, $0x1;
	s8 =	smul.u32 $0x14000, s0  }
0x6: {  	[smem:$0x7FF] =	sst s4;
	s29 =	smul.u32 $0x50000, s0;
	s31 =	sshll.u32 s0, $0x6  }
0x7: {  	s1 =	sor.u32 s6, s28;
	s9 =	smul.u32 $0x140000, s6;
	s6 =	ssub.s32 $0x2, s6  }
0x8: {  	s7 =	smul.u32 $0x500, s1;
	s1 =	rddreg [dreg:$0x3];
	_ =	strace $0x80000047  }
0x9: {  	s10 =	sshrl.u32 s8, $0x3;
	s11 =	sshrl.u32 s6, $0x1;
	s30 =	sshrl.u32 s29, $0x2  }
0xa: {  	s8 =	sadd.s32 s8, s9;
	s10 =	sadd.s32 s10, s5;
	s11 =	ssub.s32 s6, s11  }
0xb: {  	s12 =	sadd.s32 s30, s3;
	s6 =	sor.u32 $0x1C01, s31;
	s7 =	sadd.s32 s7, s5  }
0xc: {  	s8 =	sshrl.u32 s8, $0x3;
	s9 =	smax.u32 s11, $0x1;
	s11 =	simm.s32 $0x1  }
0xd: {  	s8 =	sadd.s32 s8, s5;
	s5 =	sadd.s32 $0x18400, s10;
	s7 =	sadd.s32 $0xE400, s7  }
0xe: {  	s10 =	sshrl.u32 s12, $0x3;
	s12 =	simm.s32 $0x2800;
	s8 =	sadd.s32 $0x40400, s8  }
.LBB2_1:
0xf: {  	[spmem:s10], [sflag:s6] =	dma.local [hbm:s5], $0x2800  }
0x10: {  	_ =	swait.ge [sflag:s11], $0x2800  }
0x11: {  	[sflag:s11] =	ssyncset.done $0x0  }
0x12: {  	[sflag:s11] =	ssyncadd.s32 $0xFFFFD800  }
0x13: {  	[tilespmem:s12], [sflag:$0x1] =	stream.linear.gather [hbm4b:s2+s4], $0x4000, $0x38;
	[tilespmem:$0x1A800] =	vst v63  }
0x14: {  	_ =	swait.ge [sflag:s11], $0x4000  }
0x15: {  	[sflag:s11] =	ssyncset.done $0x0  }
0x16: {  	[sflag:s11] =	ssyncadd.s32 $0xFFFFC000  }
0x17: {  	[tilespmem:s4], [sflag:$0x1] =	stream.linear.gather [hbm4b:s7+s4], $0x2800, $0x38;
	[tilespmem:$0x1A800] =	vst v63  }
0x18: {  	_ =	swait.ge [sflag:s11], $0x2800  }
0x19: {  	[sflag:s11] =	ssyncset.done $0x0  }
0x1a: {  	[sflag:s11] =	ssyncadd.s32 $0xFFFFD800  }
0x1b: {  	s15 =	simm.s32 $0x0;
	[bflag:$0x0] =	sbarrier.arrive $0xFFFF  }
0x1c: {  	[spmem:s3] =	stream.indirect.scatter.add.f32 [tilespmem:s12], [sflag:$0x1], $0x80, s15, s13, $0xb8;
	[tilespmem:$0x1A800] =	vst v63  }
0x1d: {  	_ =	swait.ge [sflag:s11], $0x4000  }
0x1e: {  	s15 =	simm.s32 $0x200;
	[sflag:s11] =	ssyncset.done $0x0  }
.LBB2_2:
0x1f: {  	s16 =	sshra.s32 s15, $0x2;
	[sflag:s11] =	ssyncadd.s32 $0xFFFFC000;
	p0 =	sne.s32 s15, $0x9E00  }
0x20: {  	[spmem:s3] =	stream.indirect.scatter.add.f32 [tilespmem:s12], [sflag:$0x1], $0x80, s16, s13, $0xb8;
	[tilespmem:$0x1A800] =	vst v63  }
.Ltmp0:
0x21: {  	_ = 	snop;
	(pc) =	sbr.rel @p0 .LBB2_2-.Ltmp0, $4  }
0x22: {  	_ = 	snop  }
0x23: {  	s15 =	sadd.s32 $0x200, s15  }
0x24: {  	_ =	swait.ge [sflag:s11], $0x4000  }
0x25: {  	[sflag:s11] =	ssyncset.done $0x0  }
0x26: {  	s14 =	sadd.s32 $0x1, s14  }
0x27: {  	[sflag:s11] =	ssyncadd.s32 $0xFFFFC000;
	p0 =	sne.s32 s14, s9  }
.Ltmp1:
0x28: {  	[bflag:$0x0] =	sbarrier.arrive $0xFFFF;
	(pc) =	sbr.rel @p0 .LBB2_1-.Ltmp1, $4  }
0x29: {  	[hbm:s8], [sflag:s6] =	dma.local [spmem:s10], $0x2800  }
0x2a: {  	_ =	swait.ge [sflag:s11], $0x2800  }
0x2b: {  	[sflag:s11] =	ssyncset.done $0x0  }
0x2c: {  	[sflag:s11] =	ssyncadd.s32 $0xFFFFD800  }
0x2d: {  	_ =	sfence.sel $0x180000  }
0x2e: {  	[bflag:$0x0] =	sbarrier.arrive $0xFFFF  }
0x2f: {  	p0 =	sne.s32 s0, $0x0;
	_ =	strace $0x90000047  }
0x30: {  	s0 =	sadd.s32 @!p0 $0x100000, s1;
	[bflag:$0x2] =	sbarrier.arrive $0xFFFF  }
0x31: {  	[sflag:s0] =	ssyncadd.tile.s32 @!p0 $0x1;
	_ =	shalt  }
.Lfunc_end2:
_tile_overlayer_lowered:
.L_overlay_start_2:
0x32: {  	(tag) =	ssettag $0x2  }
0x33: {  	s0 =	rddreg [dreg:$0x0];
	s2 =	stileid.u32  }
0x34: {  	s1 =	rddreg [dreg:$0x1];
	p0 =	sne.s32 s2, $0x0  }
0x35: {  	s3 =	rddreg [dreg:$0x2];
	[bflag:$0x3] =	sbarrier.arrive $0xFFFF;
	s2 =	simm.s32 @!p0 $0x1C01  }
0x36: {  	[timem:s3], [sflag:s2] =	dma.local @!p0 [hbm:s0], s1  }
0x37: {  	s0 =	simm.s32 @!p0 $0x1  }
0x38: {  	_ =	swait.ge @!p0 [sflag:s0], s1  }
0x39: {  	s1 =	ssub.s32 @!p0 $0x0, s1;
	[sflag:s0] =	ssyncset.done @!p0 $0x0  }
0x3a: {  	[sflag:s0] =	ssyncadd.s32 @!p0 s1  }
0x3b: {  	[bflag:$0x3] =	sbarrier.arrive $0xFFFF  }
0x3c: {  	_ =	shalt  }

// kernel: kernel.13.cloned.1.call-start
scs
__scs_entry_jumppad:
0x0: {  	(pc) =	sbr.rel $0x88, $3  }
0x1: {  	(tag) =	ssettag $0x0;
	lr =	simm.s32 $0x1  }
0x2: {  	[smem:$0x3F9A] =	sst lr;
	_ =	strace $0xD0000000  }
0x3: {  	_ = 	snop  }
0x4: {  	_ = 	snop  }
0x5: {  	_ = 	snop  }
0x6: {  	_ = 	snop  }
0x7: {  	_ = 	snop  }
__scs_overlays_trampoline_lowered:
0x8: {  	[smem:$0x3FA9] =	sst s0  }
0x9: {  	[smem:$0x3FAA] =	sst s1  }
0xa: {  	[smem:$0x3FAB] =	sst s2  }
0xb: {  	[smem:$0x3FAC] =	sst s3  }
0xc: {  	[smem:$0x3FAD] =	sst s4  }
0xd: {  	[smem:$0x3FAE] =	sst s5  }
0xe: {  	[smem:$0x3FAF] =	sst s6  }
0xf: {  	[smem:$0x3FB0] =	sst s7  }
0x10: {  	[smem:$0x3FB1] =	sst s8  }
0x11: {  	[smem:$0x3FB2] =	sst s9;
	s0 =	simm.s32 @!p0 $0x0  }
0x12: {  	s1 =	sld [smem:$0x3F98];
	s0 =	simm.s32 @p0 $0x1  }
0x13: {  	[smem:$0x3FB3] =	sst s0;
	s0 =	simm.s32 @!p1 $0x0  }
0x14: {  	s2 =	sld [smem:$0x3F97];
	s0 =	simm.s32 @p1 $0x1  }
0x15: {  	[smem:$0x3FB4] =	sst s0;
	s0 =	simm.s32 @!p2 $0x0  }
0x16: {  	s3 =	sld [smem:$0x3FDB];
	s0 =	simm.s32 @p2 $0x1  }
0x17: {  	s4 =	simm.s32 $0x1BF5;
	[smem:$0x3FB6] =	sst s0  }
0x18: {  	s0 =	sld [smem:$0x3F99];
	_ =	swait.ge [sflag:s4], $0x0  }
0x19: {  	s7 =	sld [smem:$0x3F9A]  }
0x1a: {  	s8 =	sadd.s32 $0xFFFFE003, lr  }
0x1b: {  	s9 =	sadd.s32 $0xFFFFFEF7, lr;
	s5 =	simm.s32 $0xFFFFFFFF;
	p2 =	slt.u32 s8, $0xFFFFF086  }
0x1c: {  	p1 =	slt.u32 s9, $0xF7A;
	s5 =	simm.s32 @!p2 $0x0  }
0x1d: {  	s5 =	simm.s32 @p1 $0x1;
	p0 =	seq.s32 s7, s2  }
0x1e: {  	s7 =	smul.u32 @!p0 $0xF7A, s2;
	p2 =	seq.s32 @!p0 s5, $0x0  }
0x1f: {  	s9 =	smul.u32 $0xF7A, s1;
	s8 =	simm.s32 @!p0 $0x1BF5;
	p2 =	por !p2, p0  }
0x20: {  	[sflag:s8] =	ssyncset.s32 @!p0 $0xFFFFF086;
	s6 =	sadd.s32 @!p0 s3, s7;
	s7 =	simm.s32 @!p0 $0x108  }
0x21: {  	s3 =	sadd.s32 s3, s9;
	s6 =	sadd.s32 @!p0 $0x88, s6;
	s7 =	simm.s32 @p2 $0x1082  }
0x22: {  	[simem:s7], [sflag:s8] =	dma.local @!p0 [hbm:s6], $0xF7A  }
0x23: {  	s9 =	sor.u32 $0xD0000000, s2;
	s6 =	simm.s32 $0x108;
	_ =	swait.ge @!p0 [sflag:s8], $0x0  }
0x24: {  	s3 =	sadd.s32 $0x88, s3;
	s6 =	simm.s32 @!p1 $0x1082;
	[sflag:s4] =	ssyncset.s32 $0xFFFFF086  }
0x25: {  	[simem:s6], [sflag:s4] =	dma.local [hbm:s3], $0xF7A  }
0x26: {  	[smem:$0x3F9A] =	sst s1;
	(tag) =	ssettag s2;
	_ =	strace s9  }
0x27: {  	s1 =	sld [smem:$0x3FAA]  }
0x28: {  	s2 =	sld [smem:$0x3FAB]  }
0x29: {  	s4 =	sld [smem:$0x3FAD]  }
0x2a: {  	p0 =	seq.s32 s5, $0x0;
	s5 =	sld [smem:$0x3FAE]  }
0x2b: {  	s6 =	sld [smem:$0x3FAF]  }
0x2c: {  	s7 =	sld [smem:$0x3FB0]  }
0x2d: {  	s3 =	simm.s32 $0x108;
	s8 =	sld [smem:$0x3FB1]  }
0x2e: {  	s3 =	simm.s32 @!p0 $0x1082;
	s9 =	sld [smem:$0x3FB2]  }
0x2f: {  	lr =	sadd.s32 s0, s3;
	s0 =	sld [smem:$0x3FA9]  }
0x30: {  	s3 =	sld [smem:$0x3FAC]  }
0x31: {  	[smem:$0x3FB5] =	sst s10  }
0x32: {  	s10 =	sld [smem:$0x3FB3];
	_ =	sdelay $0x3  }
0x33: {  	p0 =	seq.s32 s10, $0x1;
	s10 =	sld [smem:$0x3FB5];
	_ =	sdelay $0x3  }
0x34: {  	[smem:$0x3FB5] =	sst s10  }
0x35: {  	s10 =	sld [smem:$0x3FB4];
	_ =	sdelay $0x3  }
0x36: {  	p1 =	seq.s32 s10, $0x1;
	s10 =	sld [smem:$0x3FB5];
	_ =	sdelay $0x3  }
0x37: {  	[smem:$0x3FB5] =	sst s10  }
0x38: {  	s10 =	sld [smem:$0x3FB6]  }
0x39: {  	_ = 	snop;
	(pc) =	sbr.ind lr, $3  }
0x3a: {  	_ = 	snop  }
0x3b: {  	_ = 	snop  }
0x3c: {  	p2 =	seq.s32 s10, $0x1;
	s10 =	sld [smem:$0x3FB5]  }
0x3d: {  	_ =	shalt  }
0x3e: {  	_ =	shalt  }
0x3f: {  	_ =	shalt  }
0x40: {  	_ =	shalt  }
0x41: {  	_ =	shalt  }
0x42: {  	_ =	shalt  }
0x43: {  	_ =	shalt  }
0x44: {  	_ =	shalt  }
0x45: {  	_ =	shalt  }
0x46: {  	_ =	shalt  }
0x47: {  	_ =	shalt  }
0x48: {  	_ =	shalt  }
0x49: {  	_ =	shalt  }
0x4a: {  	_ =	shalt  }
0x4b: {  	_ =	shalt  }
0x4c: {  	_ =	shalt  }
0x4d: {  	_ =	shalt  }
0x4e: {  	_ =	shalt  }
0x4f: {  	_ =	shalt  }
0x50: {  	_ =	shalt  }
0x51: {  	_ =	shalt  }
0x52: {  	_ =	shalt  }
0x53: {  	_ =	shalt  }
0x54: {  	_ =	shalt  }
0x55: {  	_ =	shalt  }
0x56: {  	_ =	shalt  }
0x57: {  	_ =	shalt  }
0x58: {  	_ =	shalt  }
0x59: {  	_ =	shalt  }
0x5a: {  	_ =	shalt  }
0x5b: {  	_ =	shalt  }
0x5c: {  	_ =	shalt  }
0x5d: {  	_ =	shalt  }
0x5e: {  	_ =	shalt  }
0x5f: {  	_ =	shalt  }
0x60: {  	_ =	shalt  }
0x61: {  	_ =	shalt  }
0x62: {  	_ =	shalt  }
0x63: {  	_ =	shalt  }
0x64: {  	_ =	shalt  }
0x65: {  	_ =	shalt  }
0x66: {  	_ =	shalt  }
0x67: {  	_ =	shalt  }
0x68: {  	_ =	shalt  }
0x69: {  	_ =	shalt  }
0x6a: {  	_ =	shalt  }
0x6b: {  	_ =	shalt  }
0x6c: {  	_ =	shalt  }
0x6d: {  	_ =	shalt  }
0x6e: {  	_ =	shalt  }
0x6f: {  	_ =	shalt  }
0x70: {  	_ =	shalt  }
0x71: {  	_ =	shalt  }
0x72: {  	_ =	shalt  }
0x73: {  	_ =	shalt  }
0x74: {  	_ =	shalt  }
0x75: {  	_ =	shalt  }
0x76: {  	_ =	shalt  }
0x77: {  	_ =	shalt  }
0x78: {  	_ =	shalt  }
0x79: {  	_ =	shalt  }
0x7a: {  	_ =	shalt  }
0x7b: {  	_ =	shalt  }
0x7c: {  	_ =	shalt  }
0x7d: {  	_ =	shalt  }
0x7e: {  	_ =	shalt  }
0x7f: {  	_ =	shalt  }
0x80: {  	_ =	shalt  }
0x81: {  	_ =	shalt  }
0x82: {  	_ =	shalt  }
0x83: {  	_ =	shalt  }
0x84: {  	_ =	shalt  }
0x85: {  	_ =	shalt  }
0x86: {  	_ =	shalt  }
0x87: {  	_ =	shalt  }
.Lfunc_end0:
.L_simem_size_0:
called_computation.1_lowered:
.L_overlay_start_0:
0x88: {  	s2 =	sld [smem:$0x3FD9]  }
0x89: {  	s3 =	sld [smem:$0x3FFE];
	_ =	sdelay $0x1  }
0x8a: {  	s1 =	srdreg.scid  }
0x8b: {  	s0 =	sand.u32 $0x1, s1  }
0x8c: {  	s16 =	sshll.u32 s0, $0xA;
	s2 =	sadd.s32 s3, s2  }
0x8d: {  	s2 =	sadd.s32 s2, s16  }
0x8e: {  	[smem:$0x3FC1] =	sst s2  }
0x8f: {  	_ = 	snop  }
0x90: {  	(tm) =	ssettm $0x1  }
0x91: {  	s17 =	sld [smem:$0x3FFB];
	_ =	sdelay $0x3  }
0x92: {  	_ =	strace s17  }
0x93: {  	s2 =	sld [smem:$0x3FFC];
	_ =	sdelay $0x3  }
0x94: {  	_ =	strace s2  }
0x95: {  	s2 =	sld [smem:$0x3FFD];
	_ =	sdelay $0x3  }
0x96: {  	_ =	strace s2  }
0x97: {  	_ =	strace $0x8FFFFFFF  }
0x98: {  	s18 =	sld [smem:$0x3FDB];
	_ =	sdelay $0x1  }
0x99: {  	s19 =	simm.s32 $_scs_section_size  }
0x9a: {  	s4 =	simm.s32 $_size__tile_overlayer_lowered;
	s5 =	simm.s32 $_tile_overlayer_lowered  }
0x9b: {  	s22 =	simm.s32 $0x1BFF;
	s21 =	sshll.u32 s5, $0x1;
	s2 =	sadd.s32 s19, s18  }
0x9c: {  	s6 =	simm.s32 $0x0;
	s20 =	sshll.u32 s4, $0x1;
	s4 =	sadd.s32 s21, s2  }
0x9d: {  	[timem:s6], [sflag:s22] =	dma.local [hbm:s4], s20  }
0x9e: {  	_ =	swait.ge [sflag:s22], s20  }
0x9f: {  	s3 =	ssub.s32 $0x0, s20;
	[sflag:s22] =	ssyncset.done $0x0  }
0xa0: {  	[sflag:s22] =	ssyncadd.s32 s3;
	_ =	sdelay $0x1  }
0xa1: {  	s23 =	simm.s32 $0x1B8B  }
0xa2: {  	_ =	swait.ge [sflag:s23], $0x1  }
0xa3: {  	[sflag:s23] =	ssyncset.done $0x0  }
0xa4: {  	s25 =	simm.s32 $0x1B8E;
	s24 =	sld [smem:$0x3FFE];
	[sflag:s23] =	ssyncadd.s32 $0xFFFFFFFF  }
0xa5: {  	s26 =	simm.s32 $execute0_lowered;
	[smem:$0x3FD2] =	sst s25  }
0xa6: {  	s4 =	sshll.u32 s26, $0x1;
	_ =	strace $0x80000049;
	[dreg:$0x1] =	wrdreg $0xFFFFFFFF  }
0xa7: {  	s28 =	simm.s32 $_size_execute0_lowered;
	s2 =	sadd.s32 s2, s4;
	[dreg:$0x0] =	wrdreg $0x0  }
0xa8: {  	s4 =	sshll.u32 s28, $0x1;
	[dreg:$0x2] =	wrdreg s2  }
0xa9: {  	[dreg:$0x3] =	wrdreg s4  }
0xaa: {  	[dreg:$0x4] =	wrdreg $0xC0  }
0xab: {  	_ =	task [dreg:s6], $0x5FFFF  }
0xac: {  	[dreg:$0x1] =	wrdreg $0xFFFFFFFF  }
0xad: {  	[dreg:$0x0] =	wrdreg $0x60  }
0xae: {  	[dreg:$0x2] =	wrdreg s24  }
0xaf: {  	[dreg:$0x3] =	wrdreg $0x90000  }
0xb0: {  	[dreg:$0x4] =	wrdreg $0x9  }
0xb1: {  	_ =	task.clear_ibuf [dreg:s6], $0x5FFFF;
	_ =	strace $0x90000049  }
0xb2: {  	s29 =	simm.s32 $0x9;
	_ =	strace $0x8000004B  }
0xb3: {  	_ =	swait.ge [sflag:s29], $0x1  }
0xb4: {  	[sflag:s29] =	ssyncadd.s32 $0xFFFFFFFF  }
0xb5: {  	_ =	strace $0x9000004B  }
0xb6: {  	_ =	sfence  }
0xb7: {  	s30 =	sld [smem:$0x0];
	_ =	sdelay $0x2  }
0xb8: {  	s31 =	sshll.u32 s1, $0xD;
	s1 =	sshrl.u32 s1, $0x2  }
0xb9: {  	s3 =	sand.u32 $0x4000, s31;
	s1 =	sadd.s32 s1, s30  }
0xba: {  	s0 =	sor.u32 s3, s0;
	s1 =	sshll.u32 s1, $0x11  }
0xbb: {  	s0 =	sor.u32 s1, s0  }
0xbc: {  	s0 =	sadd.s32 $0x8F2B, s0  }
0xbd: {  	[sflag:s0] =	ssyncadd.remote.s32 $0x1  }
0xbe: {  	_ =	sfence.sel $0xFFFF  }
0xbf: {  	[dreg:$0x0] =	wrdreg $0xFFFFFFFF;
	(pc) =	sbr.abs _section_cstart, $3  }
0xc0: {  	[dreg:$0x1] =	wrdreg $0xFFFFFFFF  }
0xc1: {  	_ =	task.clear_ibuf [dreg:s6], $0x2FFFF;
	_ =	strace $0x9FFFFFFF  }
0xc2: {  	(tm) =	ssettm $0x7FFFFFFF  }
0xc3: {  	_ =	shalt  }
tec
execute0_lowered:
.L_overlay_start_1:
0x0: {  	(tag) =	ssettag $0x1  }
0x1: {  	s1 =	srdreg.scid;
	s6 =	rddreg [dreg:$0x0]  }
0x2: {  	s0 =	stileid.u32;
	s2 =	rddreg [dreg:$0x1]  }
0x3: {  	s3 =	simm.s32 $0x0;
	s14 =	simm.s32 $0x80;
	s15 =	simm.s32 $0x5000  }
0x4: {  	s16 =	simm.s32 $0x1;
	s17 =	simm.s32 $0x0;
	s5 =	sand.u32 $0x1, s1  }
0x5: {  	s26 =	sshll.u32 s0, $0x1;
	[smem:$0x7FF] =	sst s3;
	s9 =	smul.u32 $0x14000, s0  }
0x6: {  	s4 =	sadd.s32 $0x90400, s6;
	s10 =	smul.u32 $0x50000, s0;
	s11 =	sadd.s32 $0x18400, s6  }
0x7: {  	s31 =	smul.u32 $0x2800, s0;
	s13 =	sshll.u32 s0, $0x6;
	s1 =	sor.u32 s5, s26  }
0x8: {  	s8 =	smul.u32 $0x140000, s5;
	s28 =	ssub.s32 $0x2, s5;
	p0 =	seq.s32 s5, $0x0  }
0x9: {  	s7 =	smul.u32 $0x500, s1;
	s1 =	rddreg [dreg:$0x2];
	_ =	strace $0x8000004A  }
0xa: {  	s12 =	sshrl.u32 s28, $0x1;
	s29 =	sshrl.u32 s10, $0x2;
	s11 =	smov.u32 @p0 s4  }
0xb: {  	s10 =	sor.u32 $0x1C02, s13;
	s13 =	simm.s32 $0x2800;
	s8 =	sadd.s32 s9, s8  }
0xc: {  	s9 =	ssub.s32 s28, s12;
	s30 =	sadd.s32 s29, s2;
	s8 =	sshrl.u32 s8, $0x3  }
0xd: {  	s12 =	simm.s32 $0x2;
	s7 =	sadd.s32 s7, s6;
	s8 =	sadd.s32 s8, s6  }
0xe: {  	s5 =	sadd.s32 $0x4400, s7;
	s6 =	sadd.s32 $0xE400, s7;
	s7 =	sadd.s32 $0xB8400, s8  }
0xf: {  	s8 =	smax.u32 s9, $0x1;
	s9 =	sadd.s32 s11, s31;
	s11 =	sshrl.u32 s30, $0x3  }
.LBB2_1:
0x10: {  	[spmem:s11], [sflag:s10] =	dma.local [hbm:s9], $0x2800  }
0x11: {  	_ =	swait.ge [sflag:s12], $0x2800  }
0x12: {  	[sflag:s12] =	ssyncset.done $0x0  }
0x13: {  	[sflag:s12] =	ssyncadd.s32 $0xFFFFD800  }
0x14: {  	[tilespmem:s3], [sflag:$0x2] =	stream.linear.gather [hbm4b:s5+s3], $0x2800, $0x38;
	[tilespmem:$0x1D000] =	vst v63  }
0x15: {  	_ =	swait.ge [sflag:s12], $0x2800  }
0x16: {  	[sflag:s12] =	ssyncset.done $0x0  }
0x17: {  	[sflag:s12] =	ssyncadd.s32 $0xFFFFD800  }
0x18: {  	[tilespmem:s13], [sflag:$0x2] =	stream.linear.gather [hbm4b:s6+s3], $0x2800, $0x38;
	[tilespmem:$0x1D000] =	vst v63  }
0x19: {  	_ =	swait.ge [sflag:s12], $0x2800  }
0x1a: {  	[sflag:s12] =	ssyncset.done $0x0  }
0x1b: {  	[sflag:s12] =	ssyncadd.s32 $0xFFFFD800  }
0x1c: {  	s18 =	simm.s32 $0x0;
	[bflag:$0x0] =	sbarrier.arrive $0xFFFF  }
0x1d: {  	[tilespmem:s15], [sflag:$0x1] =	stream.indirect.gather [hbm4b:s4+s14], $0x80, s18, s14, $0xb8;
	[tilespmem:$0x1D000] =	vst v63  }
0x1e: {  	_ =	swait.ge [sflag:s16], $0x4000  }
0x1f: {  	[sflag:s16] =	ssyncset.done $0x0  }
0x20: {  	s31 =	simm.s32 $0x2800;
	[sflag:s16] =	ssyncadd.s32 $0xFFFFC000  }
0x21: {  	[spmem:s2] =	stream.indirect.scatter.add.f32 [tilespmem:s15], [sflag:$0x2], $0x80, s31, s14, $0xb8;
	[tilespmem:$0x1D000] =	vst v63  }
0x22: {  	_ =	swait.ge [sflag:s12], $0x4000  }
0x23: {  	s19 =	simm.s32 $0x400;
	s18 =	simm.s32 $0x200;
	[sflag:s12] =	ssyncset.done $0x0  }
.LBB2_2:
0x24: {  	s20 =	sshra.s32 s18, $0x2  }
0x25: {  	[sflag:s12] =	ssyncadd.s32 $0xFFFFC000;
	s18 =	smov.u32 s19;
	s21 =	sadd.s32 $0x200, s19  }
0x26: {  	[tilespmem:s15], [sflag:$0x1] =	stream.indirect.gather [hbm4b:s4+s14], $0x80, s20, s14, $0xb8;
	[tilespmem:$0x1D000] =	vst v63  }
0x27: {  	p0 =	sne.s32 s19, $0x9E00;
	_ =	swait.ge [sflag:s16], $0x4000  }
.Ltmp0:
0x28: {  	[sflag:s16] =	ssyncset.done $0x0;
	(pc) =	sbr.rel @p0 .LBB2_2-.Ltmp0, $4  }
0x29: {  	s19 =	sadd.s32 $0x2800, s20;
	[sflag:s16] =	ssyncadd.s32 $0xFFFFC000  }
0x2a: {  	[spmem:s2] =	stream.indirect.scatter.add.f32 [tilespmem:s15], [sflag:$0x2], $0x80, s19, s14, $0xb8;
	[tilespmem:$0x1D000] =	vst v63  }
0x2b: {  	_ =	swait.ge [sflag:s12], $0x4000  }
0x2c: {  	s19 =	smov.u32 s21;
	[sflag:s12] =	ssyncset.done $0x0  }
0x2d: {  	s18 =	sshra.s32 s18, $0x2;
	[sflag:s12] =	ssyncadd.s32 $0xFFFFC000  }
0x2e: {  	[tilespmem:s15], [sflag:$0x1] =	stream.indirect.gather [hbm4b:s4+s14], $0x80, s18, s14, $0xb8;
	[tilespmem:$0x1D000] =	vst v63  }
0x2f: {  	_ =	swait.ge [sflag:s16], $0x4000  }
0x30: {  	[sflag:s16] =	ssyncset.done $0x0  }
0x31: {  	s18 =	sadd.s32 $0x2800, s18;
	[sflag:s16] =	ssyncadd.s32 $0xFFFFC000  }
0x32: {  	[spmem:s2] =	stream.indirect.scatter.add.f32 [tilespmem:s15], [sflag:$0x2], $0x80, s18, s14, $0xb8;
	[tilespmem:$0x1D000] =	vst v63  }
0x33: {  	_ =	swait.ge [sflag:s12], $0x4000  }
0x34: {  	s17 =	sadd.s32 $0x1, s17;
	[sflag:s12] =	ssyncset.done $0x0  }
0x35: {  	p0 =	sne.s32 s17, s8;
	[sflag:s12] =	ssyncadd.s32 $0xFFFFC000  }
.Ltmp1:
0x36: {  	[bflag:$0x0] =	sbarrier.arrive $0xFFFF;
	(pc) =	sbr.rel @p0 .LBB2_1-.Ltmp1, $4  }
0x37: {  	[hbm:s7], [sflag:s10] =	dma.local [spmem:s11], $0x2800  }
0x38: {  	_ =	swait.ge [sflag:s12], $0x2800  }
0x39: {  	[sflag:s12] =	ssyncset.done $0x0  }
0x3a: {  	[sflag:s12] =	ssyncadd.s32 $0xFFFFD800  }
0x3b: {  	_ =	sfence.sel $0x180000  }
0x3c: {  	[bflag:$0x0] =	sbarrier.arrive $0xFFFF  }
0x3d: {  	p0 =	sne.s32 s0, $0x0;
	_ =	strace $0x9000004A  }
0x3e: {  	s0 =	sadd.s32 @!p0 $0x100000, s1;
	[bflag:$0x2] =	sbarrier.arrive $0xFFFF  }
0x3f: {  	[sflag:s0] =	ssyncadd.tile.s32 @!p0 $0x1;
	_ =	shalt  }
.Lfunc_end2:
_tile_overlayer_lowered:
.L_overlay_start_2:
0x40: {  	(tag) =	ssettag $0x2  }
0x41: {  	s0 =	rddreg [dreg:$0x0];
	s2 =	stileid.u32  }
0x42: {  	s1 =	rddreg [dreg:$0x1];
	p0 =	sne.s32 s2, $0x0  }
0x43: {  	s3 =	rddreg [dreg:$0x2];
	[bflag:$0x3] =	sbarrier.arrive $0xFFFF;
	s2 =	simm.s32 @!p0 $0x1C02  }
0x44: {  	[timem:s3], [sflag:s2] =	dma.local @!p0 [hbm:s0], s1  }
0x45: {  	s0 =	simm.s32 @!p0 $0x2  }
0x46: {  	_ =	swait.ge @!p0 [sflag:s0], s1  }
0x47: {  	s1 =	ssub.s32 @!p0 $0x0, s1;
	[sflag:s0] =	ssyncset.done @!p0 $0x0  }
0x48: {  	[sflag:s0] =	ssyncadd.s32 @!p0 s1  }
0x49: {  	[bflag:$0x3] =	sbarrier.arrive $0xFFFF  }
0x4a: {  	_ =	shalt  }

// kernel: kernel.16.cloned.1.call-start
scs
__scs_entry_jumppad:
0x0: {  	(pc) =	sbr.rel $0x88, $3  }
0x1: {  	(tag) =	ssettag $0x0;
	lr =	simm.s32 $0x1  }
0x2: {  	[smem:$0x3F9A] =	sst lr;
	_ =	strace $0xD0000000  }
0x3: {  	_ = 	snop  }
0x4: {  	_ = 	snop  }
0x5: {  	_ = 	snop  }
0x6: {  	_ = 	snop  }
0x7: {  	_ = 	snop  }
__scs_overlays_trampoline_lowered:
0x8: {  	[smem:$0x3FA9] =	sst s0  }
0x9: {  	[smem:$0x3FAA] =	sst s1  }
0xa: {  	[smem:$0x3FAB] =	sst s2  }
0xb: {  	[smem:$0x3FAC] =	sst s3  }
0xc: {  	[smem:$0x3FAD] =	sst s4  }
0xd: {  	[smem:$0x3FAE] =	sst s5  }
0xe: {  	[smem:$0x3FAF] =	sst s6  }
0xf: {  	[smem:$0x3FB0] =	sst s7  }
0x10: {  	[smem:$0x3FB1] =	sst s8  }
0x11: {  	[smem:$0x3FB2] =	sst s9;
	s0 =	simm.s32 @!p0 $0x0  }
0x12: {  	s1 =	sld [smem:$0x3F98];
	s0 =	simm.s32 @p0 $0x1  }
0x13: {  	[smem:$0x3FB3] =	sst s0;
	s0 =	simm.s32 @!p1 $0x0  }
0x14: {  	s2 =	sld [smem:$0x3F97];
	s0 =	simm.s32 @p1 $0x1  }
0x15: {  	[smem:$0x3FB4] =	sst s0;
	s0 =	simm.s32 @!p2 $0x0  }
0x16: {  	s3 =	sld [smem:$0x3FDB];
	s0 =	simm.s32 @p2 $0x1  }
0x17: {  	s4 =	simm.s32 $0x1BF5;
	[smem:$0x3FB6] =	sst s0  }
0x18: {  	s0 =	sld [smem:$0x3F99];
	_ =	swait.ge [sflag:s4], $0x0  }
0x19: {  	s7 =	sld [smem:$0x3F9A]  }
0x1a: {  	s8 =	sadd.s32 $0xFFFFE003, lr  }
0x1b: {  	s9 =	sadd.s32 $0xFFFFFEF7, lr;
	s5 =	simm.s32 $0xFFFFFFFF;
	p2 =	slt.u32 s8, $0xFFFFF086  }
0x1c: {  	p1 =	slt.u32 s9, $0xF7A;
	s5 =	simm.s32 @!p2 $0x0  }
0x1d: {  	s5 =	simm.s32 @p1 $0x1;
	p0 =	seq.s32 s7, s2  }
0x1e: {  	s7 =	smul.u32 @!p0 $0xF7A, s2;
	p2 =	seq.s32 @!p0 s5, $0x0  }
0x1f: {  	s9 =	smul.u32 $0xF7A, s1;
	s8 =	simm.s32 @!p0 $0x1BF5;
	p2 =	por !p2, p0  }
0x20: {  	[sflag:s8] =	ssyncset.s32 @!p0 $0xFFFFF086;
	s6 =	sadd.s32 @!p0 s3, s7;
	s7 =	simm.s32 @!p0 $0x108  }
0x21: {  	s3 =	sadd.s32 s3, s9;
	s6 =	sadd.s32 @!p0 $0x88, s6;
	s7 =	simm.s32 @p2 $0x1082  }
0x22: {  	[simem:s7], [sflag:s8] =	dma.local @!p0 [hbm:s6], $0xF7A  }
0x23: {  	s9 =	sor.u32 $0xD0000000, s2;
	s6 =	simm.s32 $0x108;
	_ =	swait.ge @!p0 [sflag:s8], $0x0  }
0x24: {  	s3 =	sadd.s32 $0x88, s3;
	s6 =	simm.s32 @!p1 $0x1082;
	[sflag:s4] =	ssyncset.s32 $0xFFFFF086  }
0x25: {  	[simem:s6], [sflag:s4] =	dma.local [hbm:s3], $0xF7A  }
0x26: {  	[smem:$0x3F9A] =	sst s1;
	(tag) =	ssettag s2;
	_ =	strace s9  }
0x27: {  	s1 =	sld [smem:$0x3FAA]  }
0x28: {  	s2 =	sld [smem:$0x3FAB]  }
0x29: {  	s4 =	sld [smem:$0x3FAD]  }
0x2a: {  	p0 =	seq.s32 s5, $0x0;
	s5 =	sld [smem:$0x3FAE]  }
0x2b: {  	s6 =	sld [smem:$0x3FAF]  }
0x2c: {  	s7 =	sld [smem:$0x3FB0]  }
0x2d: {  	s3 =	simm.s32 $0x108;
	s8 =	sld [smem:$0x3FB1]  }
0x2e: {  	s3 =	simm.s32 @!p0 $0x1082;
	s9 =	sld [smem:$0x3FB2]  }
0x2f: {  	lr =	sadd.s32 s0, s3;
	s0 =	sld [smem:$0x3FA9]  }
0x30: {  	s3 =	sld [smem:$0x3FAC]  }
0x31: {  	[smem:$0x3FB5] =	sst s10  }
0x32: {  	s10 =	sld [smem:$0x3FB3];
	_ =	sdelay $0x3  }
0x33: {  	p0 =	seq.s32 s10, $0x1;
	s10 =	sld [smem:$0x3FB5];
	_ =	sdelay $0x3  }
0x34: {  	[smem:$0x3FB5] =	sst s10  }
0x35: {  	s10 =	sld [smem:$0x3FB4];
	_ =	sdelay $0x3  }
0x36: {  	p1 =	seq.s32 s10, $0x1;
	s10 =	sld [smem:$0x3FB5];
	_ =	sdelay $0x3  }
0x37: {  	[smem:$0x3FB5] =	sst s10  }
0x38: {  	s10 =	sld [smem:$0x3FB6]  }
0x39: {  	_ = 	snop;
	(pc) =	sbr.ind lr, $3  }
0x3a: {  	_ = 	snop  }
0x3b: {  	_ = 	snop  }
0x3c: {  	p2 =	seq.s32 s10, $0x1;
	s10 =	sld [smem:$0x3FB5]  }
0x3d: {  	_ =	shalt  }
0x3e: {  	_ =	shalt  }
0x3f: {  	_ =	shalt  }
0x40: {  	_ =	shalt  }
0x41: {  	_ =	shalt  }
0x42: {  	_ =	shalt  }
0x43: {  	_ =	shalt  }
0x44: {  	_ =	shalt  }
0x45: {  	_ =	shalt  }
0x46: {  	_ =	shalt  }
0x47: {  	_ =	shalt  }
0x48: {  	_ =	shalt  }
0x49: {  	_ =	shalt  }
0x4a: {  	_ =	shalt  }
0x4b: {  	_ =	shalt  }
0x4c: {  	_ =	shalt  }
0x4d: {  	_ =	shalt  }
0x4e: {  	_ =	shalt  }
0x4f: {  	_ =	shalt  }
0x50: {  	_ =	shalt  }
0x51: {  	_ =	shalt  }
0x52: {  	_ =	shalt  }
0x53: {  	_ =	shalt  }
0x54: {  	_ =	shalt  }
0x55: {  	_ =	shalt  }
0x56: {  	_ =	shalt  }
0x57: {  	_ =	shalt  }
0x58: {  	_ =	shalt  }
0x59: {  	_ =	shalt  }
0x5a: {  	_ =	shalt  }
0x5b: {  	_ =	shalt  }
0x5c: {  	_ =	shalt  }
0x5d: {  	_ =	shalt  }
0x5e: {  	_ =	shalt  }
0x5f: {  	_ =	shalt  }
0x60: {  	_ =	shalt  }
0x61: {  	_ =	shalt  }
0x62: {  	_ =	shalt  }
0x63: {  	_ =	shalt  }
0x64: {  	_ =	shalt  }
0x65: {  	_ =	shalt  }
0x66: {  	_ =	shalt  }
0x67: {  	_ =	shalt  }
0x68: {  	_ =	shalt  }
0x69: {  	_ =	shalt  }
0x6a: {  	_ =	shalt  }
0x6b: {  	_ =	shalt  }
0x6c: {  	_ =	shalt  }
0x6d: {  	_ =	shalt  }
0x6e: {  	_ =	shalt  }
0x6f: {  	_ =	shalt  }
0x70: {  	_ =	shalt  }
0x71: {  	_ =	shalt  }
0x72: {  	_ =	shalt  }
0x73: {  	_ =	shalt  }
0x74: {  	_ =	shalt  }
0x75: {  	_ =	shalt  }
0x76: {  	_ =	shalt  }
0x77: {  	_ =	shalt  }
0x78: {  	_ =	shalt  }
0x79: {  	_ =	shalt  }
0x7a: {  	_ =	shalt  }
0x7b: {  	_ =	shalt  }
0x7c: {  	_ =	shalt  }
0x7d: {  	_ =	shalt  }
0x7e: {  	_ =	shalt  }
0x7f: {  	_ =	shalt  }
0x80: {  	_ =	shalt  }
0x81: {  	_ =	shalt  }
0x82: {  	_ =	shalt  }
0x83: {  	_ =	shalt  }
0x84: {  	_ =	shalt  }
0x85: {  	_ =	shalt  }
0x86: {  	_ =	shalt  }
0x87: {  	_ =	shalt  }
.Lfunc_end0:
.L_simem_size_0:
called_computation.2_lowered:
.L_overlay_start_0:
0x88: {  	s2 =	sld [smem:$0x3FD9]  }
0x89: {  	s3 =	sld [smem:$0x3FFE];
	_ =	sdelay $0x1  }
0x8a: {  	s1 =	srdreg.scid  }
0x8b: {  	s0 =	sand.u32 $0x1, s1  }
0x8c: {  	s16 =	sshll.u32 s0, $0xA;
	s2 =	sadd.s32 s3, s2  }
0x8d: {  	s2 =	sadd.s32 s2, s16  }
0x8e: {  	[smem:$0x3FC1] =	sst s2  }
0x8f: {  	_ = 	snop  }
0x90: {  	(tm) =	ssettm $0x1  }
0x91: {  	s17 =	sld [smem:$0x3FFB];
	_ =	sdelay $0x3  }
0x92: {  	_ =	strace s17  }
0x93: {  	s2 =	sld [smem:$0x3FFC];
	_ =	sdelay $0x3  }
0x94: {  	_ =	strace s2  }
0x95: {  	s2 =	sld [smem:$0x3FFD];
	_ =	sdelay $0x3  }
0x96: {  	_ =	strace s2  }
0x97: {  	_ =	strace $0x8FFFFFFF  }
0x98: {  	s18 =	sld [smem:$0x3FDB];
	_ =	sdelay $0x1  }
0x99: {  	s19 =	simm.s32 $_scs_section_size  }
0x9a: {  	s4 =	simm.s32 $_size__tile_overlayer_lowered;
	s5 =	simm.s32 $_tile_overlayer_lowered  }
0x9b: {  	s22 =	simm.s32 $0x1BFF;
	s21 =	sshll.u32 s5, $0x1;
	s2 =	sadd.s32 s19, s18  }
0x9c: {  	s6 =	simm.s32 $0x0;
	s20 =	sshll.u32 s4, $0x1;
	s4 =	sadd.s32 s21, s2  }
0x9d: {  	[timem:s6], [sflag:s22] =	dma.local [hbm:s4], s20  }
0x9e: {  	_ =	swait.ge [sflag:s22], s20  }
0x9f: {  	s3 =	ssub.s32 $0x0, s20;
	[sflag:s22] =	ssyncset.done $0x0  }
0xa0: {  	[sflag:s22] =	ssyncadd.s32 s3;
	_ =	sdelay $0x1  }
0xa1: {  	s23 =	simm.s32 $0x1B8B  }
0xa2: {  	_ =	swait.ge [sflag:s23], $0x1  }
0xa3: {  	[sflag:s23] =	ssyncset.done $0x0  }
0xa4: {  	s25 =	simm.s32 $0x1B8E;
	s24 =	sld [smem:$0x3FFE];
	[sflag:s23] =	ssyncadd.s32 $0xFFFFFFFF  }
0xa5: {  	s26 =	simm.s32 $execute0_lowered;
	[smem:$0x3FD2] =	sst s25  }
0xa6: {  	s4 =	sshll.u32 s26, $0x1;
	_ =	strace $0x8000004C;
	[dreg:$0x1] =	wrdreg $0xFFFFFFFF  }
0xa7: {  	s28 =	simm.s32 $_size_execute0_lowered;
	s2 =	sadd.s32 s2, s4;
	[dreg:$0x0] =	wrdreg $0x0  }
0xa8: {  	s4 =	sshll.u32 s28, $0x1;
	[dreg:$0x2] =	wrdreg s2  }
0xa9: {  	[dreg:$0x3] =	wrdreg s4  }
0xaa: {  	[dreg:$0x4] =	wrdreg $0xC0  }
0xab: {  	_ =	task [dreg:s6], $0x5FFFF  }
0xac: {  	[dreg:$0x1] =	wrdreg $0xFFFFFFFF  }
0xad: {  	[dreg:$0x0] =	wrdreg $0x60  }
0xae: {  	[dreg:$0x2] =	wrdreg s24  }
0xaf: {  	[dreg:$0x3] =	wrdreg $0x150000  }
0xb0: {  	[dreg:$0x4] =	wrdreg $0x9  }
0xb1: {  	_ =	task.clear_ibuf [dreg:s6], $0x5FFFF;
	_ =	strace $0x9000004C  }
0xb2: {  	s29 =	simm.s32 $0x9;
	_ =	strace $0x8000004E  }
0xb3: {  	_ =	swait.ge [sflag:s29], $0x1  }
0xb4: {  	[sflag:s29] =	ssyncadd.s32 $0xFFFFFFFF  }
0xb5: {  	_ =	strace $0x9000004E  }
0xb6: {  	_ =	sfence  }
0xb7: {  	s30 =	sld [smem:$0x0];
	_ =	sdelay $0x2  }
0xb8: {  	s31 =	sshll.u32 s1, $0xD;
	s1 =	sshrl.u32 s1, $0x2  }
0xb9: {  	s3 =	sand.u32 $0x4000, s31;
	s1 =	sadd.s32 s1, s30  }
0xba: {  	s0 =	sor.u32 s3, s0;
	s1 =	sshll.u32 s1, $0x11  }
0xbb: {  	s0 =	sor.u32 s1, s0  }
0xbc: {  	s0 =	sadd.s32 $0x8F2B, s0  }
0xbd: {  	[sflag:s0] =	ssyncadd.remote.s32 $0x1  }
0xbe: {  	_ =	sfence.sel $0xFFFF  }
0xbf: {  	[dreg:$0x0] =	wrdreg $0xFFFFFFFF;
	(pc) =	sbr.abs _section_cstart, $3  }
0xc0: {  	[dreg:$0x1] =	wrdreg $0xFFFFFFFF  }
0xc1: {  	_ =	task.clear_ibuf [dreg:s6], $0x2FFFF;
	_ =	strace $0x9FFFFFFF  }
0xc2: {  	(tm) =	ssettm $0x7FFFFFFF  }
0xc3: {  	_ =	shalt  }
tec
execute0_lowered:
.L_overlay_start_1:
0x0: {  	(tag) =	ssettag $0x1  }
0x1: {  	s1 =	srdreg.scid;
	s5 =	rddreg [dreg:$0x0]  }
0x2: {  	s0 =	stileid.u32;
	s2 =	rddreg [dreg:$0x1];
	s3 =	simm.s32 $0x0  }
0x3: {  	s14 =	simm.s32 $0x80;
	s15 =	simm.s32 $0x5000;
	s16 =	simm.s32 $0x9000  }
0x4: {  	s17 =	simm.s32 $0xD000;
	s18 =	simm.s32 $0x11000;
	s19 =	simm.s32 $0x1  }
0x5: {  	s20 =	simm.s32 $0x2;
	s21 =	simm.s32 $0x3;
	s22 =	simm.s32 $0x4  }
0x6: {  	s23 =	simm.s32 $0x0;
	s6 =	sand.u32 $0x1, s1;
	s1 =	rddreg [dreg:$0x2]  }
0x7: {  	s26 =	sshll.u32 s0, $0x1;
	[smem:$0x7FF] =	sst s3;
	s8 =	smul.u32 $0xA000, s0  }
0x8: {  	s11 =	smul.u32 $0x28000, s0;
	s30 =	sshll.u32 s0, $0x6;
	s4 =	sor.u32 s6, s26  }
0x9: {  	_ =	strace $0x8000004D;
	s9 =	smul.u32 $0xA0000, s6;
	s6 =	ssub.s32 $0x2, s6  }
0xa: {  	s7 =	smul.u32 $0x500, s4;
	s4 =	sadd.s32 $0x90400, s5;
	s28 =	sshrl.u32 s8, $0x3  }
0xb: {  	s29 =	sshrl.u32 s6, $0x1;
	s31 =	sshrl.u32 s11, $0x2;
	s8 =	sadd.s32 s8, s9  }
0xc: {  	s13 =	ssub.s32 s6, s29;
	s6 =	sor.u32 $0x1C05, s30;
	s11 =	sadd.s32 s31, s2  }
0xd: {  	s10 =	sadd.s32 s7, s5;
	s7 =	sadd.s32 s28, s5;
	s8 =	sshrl.u32 s8, $0x3  }
0xe: {  	s11 =	sshrl.u32 s11, $0x3;
	s12 =	sadd.s32 s8, s5;
	s5 =	sadd.s32 $0xE0400, s7  }
0xf: {  	s7 =	sadd.s32 $0x112400, s10;
	s8 =	sadd.s32 $0x108400, s10;
	s10 =	smax.u32 s13, $0x1  }
0x10: {  	s13 =	simm.s32 $0x2800;
	s9 =	sadd.s32 $0x4400, s12;
	s12 =	simm.s32 $0x5  }
.LBB2_1:
0x11: {  	[spmem:s11], [sflag:s6] =	dma.local [hbm:s5], $0x1400  }
0x12: {  	_ =	swait.ge [sflag:s12], $0x1400  }
0x13: {  	[sflag:s12] =	ssyncset.done $0x0  }
0x14: {  	[sflag:s12] =	ssyncadd.s32 $0xFFFFEC00  }
0x15: {  	[tilespmem:s3], [sflag:$0x5] =	stream.linear.gather [hbm4b:s7+s3], $0x2800, $0x38;
	[tilespmem:$0x1F000] =	vst v63  }
0x16: {  	_ =	swait.ge [sflag:s12], $0x2800  }
0x17: {  	[sflag:s12] =	ssyncset.done $0x0  }
0x18: {  	[sflag:s12] =	ssyncadd.s32 $0xFFFFD800  }
0x19: {  	[tilespmem:s13], [sflag:$0x5] =	stream.linear.gather [hbm4b:s8+s3], $0x2800, $0x38;
	[tilespmem:$0x1F000] =	vst v63  }
0x1a: {  	_ =	swait.ge [sflag:s12], $0x2800  }
0x1b: {  	[sflag:s12] =	ssyncset.done $0x0  }
0x1c: {  	[sflag:s12] =	ssyncadd.s32 $0xFFFFD800  }
0x1d: {  	s24 =	simm.s32 $0x0;
	[bflag:$0x0] =	sbarrier.arrive $0xFFFF  }
0x1e: {  	[tilespmem:s15], [sflag:$0x1] =	stream.indirect.gather [hbm4b:s4+s14], $0x80, s24, s14, $0xb8;
	[tilespmem:$0x1F000] =	vst v63  }
0x1f: {  	s30 =	simm.s32 $0x80  }
0x20: {  	[tilespmem:s16], [sflag:$0x2] =	stream.indirect.gather [hbm4b:s4+s14], $0x80, s30, s14, $0xb8;
	[tilespmem:$0x1F000] =	vst v63  }
0x21: {  	s31 =	simm.s32 $0x100  }
0x22: {  	[tilespmem:s17], [sflag:$0x3] =	stream.indirect.gather [hbm4b:s4+s14], $0x80, s31, s14, $0xb8;
	[tilespmem:$0x1F000] =	vst v63  }
0x23: {  	s25 =	simm.s32 $0x180  }
0x24: {  	[tilespmem:s18], [sflag:$0x4] =	stream.indirect.gather [hbm4b:s4+s14], $0x80, s25, s14, $0xb8;
	[tilespmem:$0x1F000] =	vst v63  }
0x25: {  	_ =	swait.ge [sflag:s19], $0x4000  }
0x26: {  	[sflag:s19] =	ssyncset.done $0x0  }
0x27: {  	s26 =	simm.s32 $0x2800;
	[sflag:s19] =	ssyncadd.s32 $0xFFFFC000  }
0x28: {  	[spmem:s2] =	stream.indirect.scatter.add.f32 [tilespmem:s15], [sflag:$0x5], $0x80, s26, s14, $0xb8;
	[tilespmem:$0x1F000] =	vst v63  }
0x29: {  	_ =	swait.ge [sflag:s12], $0x4000  }
0x2a: {  	[sflag:s12] =	ssyncset.done $0x0  }
0x2b: {  	[sflag:s12] =	ssyncadd.s32 $0xFFFFC000  }
0x2c: {  	_ =	swait.ge [sflag:s20], $0x4000  }
0x2d: {  	[sflag:s20] =	ssyncset.done $0x0  }
0x2e: {  	s29 =	simm.s32 $0x2880;
	[sflag:s20] =	ssyncadd.s32 $0xFFFFC000  }
0x2f: {  	[spmem:s2] =	stream.indirect.scatter.add.f32 [tilespmem:s16], [sflag:$0x5], $0x80, s29, s14, $0xb8;
	[tilespmem:$0x1F000] =	vst v63  }
0x30: {  	_ =	swait.ge [sflag:s12], $0x4000  }
0x31: {  	[sflag:s12] =	ssyncset.done $0x0  }
0x32: {  	[sflag:s12] =	ssyncadd.s32 $0xFFFFC000  }
0x33: {  	_ =	swait.ge [sflag:s21], $0x4000  }
0x34: {  	[sflag:s21] =	ssyncset.done $0x0  }
0x35: {  	s30 =	simm.s32 $0x2900;
	[sflag:s21] =	ssyncadd.s32 $0xFFFFC000  }
0x36: {  	[spmem:s2] =	stream.indirect.scatter.add.f32 [tilespmem:s17], [sflag:$0x5], $0x80, s30, s14, $0xb8;
	[tilespmem:$0x1F000] =	vst v63  }
0x37: {  	_ =	swait.ge [sflag:s12], $0x4000  }
0x38: {  	[sflag:s12] =	ssyncset.done $0x0  }
0x39: {  	[sflag:s12] =	ssyncadd.s32 $0xFFFFC000  }
0x3a: {  	_ =	swait.ge [sflag:s22], $0x4000  }
0x3b: {  	[sflag:s22] =	ssyncset.done $0x0  }
0x3c: {  	s31 =	simm.s32 $0x2980;
	[sflag:s22] =	ssyncadd.s32 $0xFFFFC000  }
0x3d: {  	[spmem:s2] =	stream.indirect.scatter.add.f32 [tilespmem:s18], [sflag:$0x5], $0x80, s31, s14, $0xb8;
	[tilespmem:$0x1F000] =	vst v63  }
0x3e: {  	_ =	swait.ge [sflag:s12], $0x4000  }
0x3f: {  	s28 =	simm.s32 $0x1000;
	s24 =	simm.s32 $0x800;
	[sflag:s12] =	ssyncset.done $0x0  }
.LBB2_2:
0x40: {  	s26 =	sshra.s32 s24, $0x2  }
0x41: {  	[sflag:s12] =	ssyncadd.s32 $0xFFFFC000;
	s24 =	smov.u32 s28;
	s25 =	sadd.s32 $0x800, s28  }
0x42: {  	[tilespmem:s15], [sflag:$0x1] =	stream.indirect.gather [hbm4b:s4+s14], $0x80, s26, s14, $0xb8;
	[tilespmem:$0x1F000] =	vst v63  }
0x43: {  	p0 =	sne.s32 s28, $0x9800;
	s28 =	sadd.s32 $0x80, s26  }
0x44: {  	[tilespmem:s16], [sflag:$0x2] =	stream.indirect.gather [hbm4b:s4+s14], $0x80, s28, s14, $0xb8;
	[tilespmem:$0x1F000] =	vst v63  }
0x45: {  	s28 =	sadd.s32 $0x100, s26  }
0x46: {  	[tilespmem:s17], [sflag:$0x3] =	stream.indirect.gather [hbm4b:s4+s14], $0x80, s28, s14, $0xb8;
	[tilespmem:$0x1F000] =	vst v63  }
0x47: {  	s28 =	sadd.s32 $0x180, s26  }
0x48: {  	[tilespmem:s18], [sflag:$0x4] =	stream.indirect.gather [hbm4b:s4+s14], $0x80, s28, s14, $0xb8;
	[tilespmem:$0x1F000] =	vst v63  }
0x49: {  	_ =	swait.ge [sflag:s19], $0x4000  }
0x4a: {  	[sflag:s19] =	ssyncset.done $0x0  }
0x4b: {  	s28 =	sadd.s32 $0x2800, s26;
	[sflag:s19] =	ssyncadd.s32 $0xFFFFC000  }
0x4c: {  	[spmem:s2] =	stream.indirect.scatter.add.f32 [tilespmem:s15], [sflag:$0x5], $0x80, s28, s14, $0xb8;
	[tilespmem:$0x1F000] =	vst v63  }
0x4d: {  	_ =	swait.ge [sflag:s12], $0x4000  }
0x4e: {  	[sflag:s12] =	ssyncset.done $0x0  }
0x4f: {  	[sflag:s12] =	ssyncadd.s32 $0xFFFFC000  }
0x50: {  	_ =	swait.ge [sflag:s20], $0x4000  }
0x51: {  	[sflag:s20] =	ssyncset.done $0x0  }
0x52: {  	s28 =	sadd.s32 $0x2880, s26;
	[sflag:s20] =	ssyncadd.s32 $0xFFFFC000  }
0x53: {  	[spmem:s2] =	stream.indirect.scatter.add.f32 [tilespmem:s16], [sflag:$0x5], $0x80, s28, s14, $0xb8;
	[tilespmem:$0x1F000] =	vst v63  }
0x54: {  	_ =	swait.ge [sflag:s12], $0x4000  }
0x55: {  	[sflag:s12] =	ssyncset.done $0x0  }
0x56: {  	[sflag:s12] =	ssyncadd.s32 $0xFFFFC000  }
0x57: {  	_ =	swait.ge [sflag:s21], $0x4000  }
0x58: {  	[sflag:s21] =	ssyncset.done $0x0  }
0x59: {  	s28 =	sadd.s32 $0x2900, s26;
	[sflag:s21] =	ssyncadd.s32 $0xFFFFC000  }
0x5a: {  	[spmem:s2] =	stream.indirect.scatter.add.f32 [tilespmem:s17], [sflag:$0x5], $0x80, s28, s14, $0xb8;
	[tilespmem:$0x1F000] =	vst v63  }
0x5b: {  	_ =	swait.ge [sflag:s12], $0x4000  }
0x5c: {  	[sflag:s12] =	ssyncset.done $0x0  }
0x5d: {  	[sflag:s12] =	ssyncadd.s32 $0xFFFFC000  }
0x5e: {  	_ =	swait.ge [sflag:s22], $0x4000  }
.Ltmp0:
0x5f: {  	[sflag:s22] =	ssyncset.done $0x0;
	(pc) =	sbr.rel @p0 .LBB2_2-.Ltmp0, $4  }
0x60: {  	s26 =	sadd.s32 $0x2980, s26;
	[sflag:s22] =	ssyncadd.s32 $0xFFFFC000  }
0x61: {  	[spmem:s2] =	stream.indirect.scatter.add.f32 [tilespmem:s18], [sflag:$0x5], $0x80, s26, s14, $0xb8;
	[tilespmem:$0x1F000] =	vst v63  }
0x62: {  	_ =	swait.ge [sflag:s12], $0x4000  }
0x63: {  	s28 =	smov.u32 s25;
	[sflag:s12] =	ssyncset.done $0x0  }
0x64: {  	s24 =	sshra.s32 s24, $0x2;
	[sflag:s12] =	ssyncadd.s32 $0xFFFFC000  }
0x65: {  	[tilespmem:s15], [sflag:$0x1] =	stream.indirect.gather [hbm4b:s4+s14], $0x80, s24, s14, $0xb8;
	[tilespmem:$0x1F000] =	vst v63  }
0x66: {  	s25 =	sadd.s32 $0x80, s24  }
0x67: {  	[tilespmem:s16], [sflag:$0x2] =	stream.indirect.gather [hbm4b:s4+s14], $0x80, s25, s14, $0xb8;
	[tilespmem:$0x1F000] =	vst v63  }
0x68: {  	s26 =	sadd.s32 $0x100, s24  }
0x69: {  	[tilespmem:s17], [sflag:$0x3] =	stream.indirect.gather [hbm4b:s4+s14], $0x80, s26, s14, $0xb8;
	[tilespmem:$0x1F000] =	vst v63  }
0x6a: {  	s28 =	sadd.s32 $0x180, s24  }
0x6b: {  	[tilespmem:s18], [sflag:$0x4] =	stream.indirect.gather [hbm4b:s4+s14], $0x80, s28, s14, $0xb8;
	[tilespmem:$0x1F000] =	vst v63  }
0x6c: {  	_ =	swait.ge [sflag:s19], $0x4000  }
0x6d: {  	[sflag:s19] =	ssyncset.done $0x0  }
0x6e: {  	s29 =	sadd.s32 $0x2800, s24;
	[sflag:s19] =	ssyncadd.s32 $0xFFFFC000  }
0x6f: {  	[spmem:s2] =	stream.indirect.scatter.add.f32 [tilespmem:s15], [sflag:$0x5], $0x80, s29, s14, $0xb8;
	[tilespmem:$0x1F000] =	vst v63  }
0x70: {  	_ =	swait.ge [sflag:s12], $0x4000  }
0x71: {  	[sflag:s12] =	ssyncset.done $0x0  }
0x72: {  	[sflag:s12] =	ssyncadd.s32 $0xFFFFC000  }
0x73: {  	_ =	swait.ge [sflag:s20], $0x4000  }
0x74: {  	[sflag:s20] =	ssyncset.done $0x0  }
0x75: {  	s30 =	sadd.s32 $0x2880, s24;
	[sflag:s20] =	ssyncadd.s32 $0xFFFFC000  }
0x76: {  	[spmem:s2] =	stream.indirect.scatter.add.f32 [tilespmem:s16], [sflag:$0x5], $0x80, s30, s14, $0xb8;
	[tilespmem:$0x1F000] =	vst v63  }
0x77: {  	_ =	swait.ge [sflag:s12], $0x4000  }
0x78: {  	[sflag:s12] =	ssyncset.done $0x0  }
0x79: {  	[sflag:s12] =	ssyncadd.s32 $0xFFFFC000  }
0x7a: {  	_ =	swait.ge [sflag:s21], $0x4000  }
0x7b: {  	[sflag:s21] =	ssyncset.done $0x0  }
0x7c: {  	s31 =	sadd.s32 $0x2900, s24;
	[sflag:s21] =	ssyncadd.s32 $0xFFFFC000  }
0x7d: {  	[spmem:s2] =	stream.indirect.scatter.add.f32 [tilespmem:s17], [sflag:$0x5], $0x80, s31, s14, $0xb8;
	[tilespmem:$0x1F000] =	vst v63  }
0x7e: {  	_ =	swait.ge [sflag:s12], $0x4000  }
0x7f: {  	[sflag:s12] =	ssyncset.done $0x0  }
0x80: {  	[sflag:s12] =	ssyncadd.s32 $0xFFFFC000  }
0x81: {  	_ =	swait.ge [sflag:s22], $0x4000  }
0x82: {  	[sflag:s22] =	ssyncset.done $0x0  }
0x83: {  	s24 =	sadd.s32 $0x2980, s24;
	[sflag:s22] =	ssyncadd.s32 $0xFFFFC000  }
0x84: {  	[spmem:s2] =	stream.indirect.scatter.add.f32 [tilespmem:s18], [sflag:$0x5], $0x80, s24, s14, $0xb8;
	[tilespmem:$0x1F000] =	vst v63  }
0x85: {  	_ =	swait.ge [sflag:s12], $0x4000  }
0x86: {  	s23 =	sadd.s32 $0x1, s23;
	[sflag:s12] =	ssyncset.done $0x0  }
0x87: {  	p0 =	sne.s32 s23, s10;
	[sflag:s12] =	ssyncadd.s32 $0xFFFFC000  }
.Ltmp1:
0x88: {  	[bflag:$0x0] =	sbarrier.arrive $0xFFFF;
	(pc) =	sbr.rel @p0 .LBB2_1-.Ltmp1, $4  }
0x89: {  	[hbm:s9], [sflag:s6] =	dma.local [spmem:s11], $0x1400  }
0x8a: {  	_ =	swait.ge [sflag:s12], $0x1400  }
0x8b: {  	[sflag:s12] =	ssyncset.done $0x0  }
0x8c: {  	[sflag:s12] =	ssyncadd.s32 $0xFFFFEC00  }
0x8d: {  	_ =	sfence.sel $0x180000  }
0x8e: {  	[bflag:$0x0] =	sbarrier.arrive $0xFFFF  }
0x8f: {  	p0 =	sne.s32 s0, $0x0;
	_ =	strace $0x9000004D  }
0x90: {  	s0 =	sadd.s32 @!p0 $0x100000, s1;
	[bflag:$0x2] =	sbarrier.arrive $0xFFFF  }
0x91: {  	[sflag:s0] =	ssyncadd.tile.s32 @!p0 $0x1;
	_ =	shalt  }
.Lfunc_end2:
_tile_overlayer_lowered:
.L_overlay_start_2:
0x92: {  	(tag) =	ssettag $0x2  }
0x93: {  	s0 =	rddreg [dreg:$0x0];
	s2 =	stileid.u32  }
0x94: {  	s1 =	rddreg [dreg:$0x1];
	p0 =	sne.s32 s2, $0x0  }
0x95: {  	s3 =	rddreg [dreg:$0x2];
	[bflag:$0x3] =	sbarrier.arrive $0xFFFF;
	s2 =	simm.s32 @!p0 $0x1C05  }
0x96: {  	[timem:s3], [sflag:s2] =	dma.local @!p0 [hbm:s0], s1  }
0x97: {  	s0 =	simm.s32 @!p0 $0x5  }
0x98: {  	_ =	swait.ge @!p0 [sflag:s0], s1  }
0x99: {  	s1 =	ssub.s32 @!p0 $0x0, s1;
	[sflag:s0] =	ssyncset.done @!p0 $0x0  }
0x9a: {  	[sflag:s0] =	ssyncadd.s32 @!p0 s1  }
0x9b: {  	[bflag:$0x3] =	sbarrier.arrive $0xFFFF  }
0x9c: {  	_ =	shalt  }

// kernel: kernel.19.cloned.1.call-start
scs
__scs_entry_jumppad:
0x0: {  	(pc) =	sbr.rel $0x88, $3  }
0x1: {  	(tag) =	ssettag $0x0;
	lr =	simm.s32 $0x1  }
0x2: {  	[smem:$0x3F9A] =	sst lr;
	_ =	strace $0xD0000000  }
0x3: {  	_ = 	snop  }
0x4: {  	_ = 	snop  }
0x5: {  	_ = 	snop  }
0x6: {  	_ = 	snop  }
0x7: {  	_ = 	snop  }
__scs_overlays_trampoline_lowered:
0x8: {  	[smem:$0x3FA9] =	sst s0  }
0x9: {  	[smem:$0x3FAA] =	sst s1  }
0xa: {  	[smem:$0x3FAB] =	sst s2  }
0xb: {  	[smem:$0x3FAC] =	sst s3  }
0xc: {  	[smem:$0x3FAD] =	sst s4  }
0xd: {  	[smem:$0x3FAE] =	sst s5  }
0xe: {  	[smem:$0x3FAF] =	sst s6  }
0xf: {  	[smem:$0x3FB0] =	sst s7  }
0x10: {  	[smem:$0x3FB1] =	sst s8  }
0x11: {  	[smem:$0x3FB2] =	sst s9;
	s0 =	simm.s32 @!p0 $0x0  }
0x12: {  	s1 =	sld [smem:$0x3F98];
	s0 =	simm.s32 @p0 $0x1  }
0x13: {  	[smem:$0x3FB3] =	sst s0;
	s0 =	simm.s32 @!p1 $0x0  }
0x14: {  	s2 =	sld [smem:$0x3F97];
	s0 =	simm.s32 @p1 $0x1  }
0x15: {  	[smem:$0x3FB4] =	sst s0;
	s0 =	simm.s32 @!p2 $0x0  }
0x16: {  	s3 =	sld [smem:$0x3FDB];
	s0 =	simm.s32 @p2 $0x1  }
0x17: {  	s4 =	simm.s32 $0x1BF5;
	[smem:$0x3FB6] =	sst s0  }
0x18: {  	s0 =	sld [smem:$0x3F99];
	_ =	swait.ge [sflag:s4], $0x0  }
0x19: {  	s7 =	sld [smem:$0x3F9A]  }
0x1a: {  	s8 =	sadd.s32 $0xFFFFE003, lr  }
0x1b: {  	s9 =	sadd.s32 $0xFFFFFEF7, lr;
	s5 =	simm.s32 $0xFFFFFFFF;
	p2 =	slt.u32 s8, $0xFFFFF086  }
0x1c: {  	p1 =	slt.u32 s9, $0xF7A;
	s5 =	simm.s32 @!p2 $0x0  }
0x1d: {  	s5 =	simm.s32 @p1 $0x1;
	p0 =	seq.s32 s7, s2  }
0x1e: {  	s7 =	smul.u32 @!p0 $0xF7A, s2;
	p2 =	seq.s32 @!p0 s5, $0x0  }
0x1f: {  	s9 =	smul.u32 $0xF7A, s1;
	s8 =	simm.s32 @!p0 $0x1BF5;
	p2 =	por !p2, p0  }
0x20: {  	[sflag:s8] =	ssyncset.s32 @!p0 $0xFFFFF086;
	s6 =	sadd.s32 @!p0 s3, s7;
	s7 =	simm.s32 @!p0 $0x108  }
0x21: {  	s3 =	sadd.s32 s3, s9;
	s6 =	sadd.s32 @!p0 $0x88, s6;
	s7 =	simm.s32 @p2 $0x1082  }
0x22: {  	[simem:s7], [sflag:s8] =	dma.local @!p0 [hbm:s6], $0xF7A  }
0x23: {  	s9 =	sor.u32 $0xD0000000, s2;
	s6 =	simm.s32 $0x108;
	_ =	swait.ge @!p0 [sflag:s8], $0x0  }
0x24: {  	s3 =	sadd.s32 $0x88, s3;
	s6 =	simm.s32 @!p1 $0x1082;
	[sflag:s4] =	ssyncset.s32 $0xFFFFF086  }
0x25: {  	[simem:s6], [sflag:s4] =	dma.local [hbm:s3], $0xF7A  }
0x26: {  	[smem:$0x3F9A] =	sst s1;
	(tag) =	ssettag s2;
	_ =	strace s9  }
0x27: {  	s1 =	sld [smem:$0x3FAA]  }
0x28: {  	s2 =	sld [smem:$0x3FAB]  }
0x29: {  	s4 =	sld [smem:$0x3FAD]  }
0x2a: {  	p0 =	seq.s32 s5, $0x0;
	s5 =	sld [smem:$0x3FAE]  }
0x2b: {  	s6 =	sld [smem:$0x3FAF]  }
0x2c: {  	s7 =	sld [smem:$0x3FB0]  }
0x2d: {  	s3 =	simm.s32 $0x108;
	s8 =	sld [smem:$0x3FB1]  }
0x2e: {  	s3 =	simm.s32 @!p0 $0x1082;
	s9 =	sld [smem:$0x3FB2]  }
0x2f: {  	lr =	sadd.s32 s0, s3;
	s0 =	sld [smem:$0x3FA9]  }
0x30: {  	s3 =	sld [smem:$0x3FAC]  }
0x31: {  	[smem:$0x3FB5] =	sst s10  }
0x32: {  	s10 =	sld [smem:$0x3FB3];
	_ =	sdelay $0x3  }
0x33: {  	p0 =	seq.s32 s10, $0x1;
	s10 =	sld [smem:$0x3FB5];
	_ =	sdelay $0x3  }
0x34: {  	[smem:$0x3FB5] =	sst s10  }
0x35: {  	s10 =	sld [smem:$0x3FB4];
	_ =	sdelay $0x3  }
0x36: {  	p1 =	seq.s32 s10, $0x1;
	s10 =	sld [smem:$0x3FB5];
	_ =	sdelay $0x3  }
0x37: {  	[smem:$0x3FB5] =	sst s10  }
0x38: {  	s10 =	sld [smem:$0x3FB6]  }
0x39: {  	_ = 	snop;
	(pc) =	sbr.ind lr, $3  }
0x3a: {  	_ = 	snop  }
0x3b: {  	_ = 	snop  }
0x3c: {  	p2 =	seq.s32 s10, $0x1;
	s10 =	sld [smem:$0x3FB5]  }
0x3d: {  	_ =	shalt  }
0x3e: {  	_ =	shalt  }
0x3f: {  	_ =	shalt  }
0x40: {  	_ =	shalt  }
0x41: {  	_ =	shalt  }
0x42: {  	_ =	shalt  }
0x43: {  	_ =	shalt  }
0x44: {  	_ =	shalt  }
0x45: {  	_ =	shalt  }
0x46: {  	_ =	shalt  }
0x47: {  	_ =	shalt  }
0x48: {  	_ =	shalt  }
0x49: {  	_ =	shalt  }
0x4a: {  	_ =	shalt  }
0x4b: {  	_ =	shalt  }
0x4c: {  	_ =	shalt  }
0x4d: {  	_ =	shalt  }
0x4e: {  	_ =	shalt  }
0x4f: {  	_ =	shalt  }
0x50: {  	_ =	shalt  }
0x51: {  	_ =	shalt  }
0x52: {  	_ =	shalt  }
0x53: {  	_ =	shalt  }
0x54: {  	_ =	shalt  }
0x55: {  	_ =	shalt  }
0x56: {  	_ =	shalt  }
0x57: {  	_ =	shalt  }
0x58: {  	_ =	shalt  }
0x59: {  	_ =	shalt  }
0x5a: {  	_ =	shalt  }
0x5b: {  	_ =	shalt  }
0x5c: {  	_ =	shalt  }
0x5d: {  	_ =	shalt  }
0x5e: {  	_ =	shalt  }
0x5f: {  	_ =	shalt  }
0x60: {  	_ =	shalt  }
0x61: {  	_ =	shalt  }
0x62: {  	_ =	shalt  }
0x63: {  	_ =	shalt  }
0x64: {  	_ =	shalt  }
0x65: {  	_ =	shalt  }
0x66: {  	_ =	shalt  }
0x67: {  	_ =	shalt  }
0x68: {  	_ =	shalt  }
0x69: {  	_ =	shalt  }
0x6a: {  	_ =	shalt  }
0x6b: {  	_ =	shalt  }
0x6c: {  	_ =	shalt  }
0x6d: {  	_ =	shalt  }
0x6e: {  	_ =	shalt  }
0x6f: {  	_ =	shalt  }
0x70: {  	_ =	shalt  }
0x71: {  	_ =	shalt  }
0x72: {  	_ =	shalt  }
0x73: {  	_ =	shalt  }
0x74: {  	_ =	shalt  }
0x75: {  	_ =	shalt  }
0x76: {  	_ =	shalt  }
0x77: {  	_ =	shalt  }
0x78: {  	_ =	shalt  }
0x79: {  	_ =	shalt  }
0x7a: {  	_ =	shalt  }
0x7b: {  	_ =	shalt  }
0x7c: {  	_ =	shalt  }
0x7d: {  	_ =	shalt  }
0x7e: {  	_ =	shalt  }
0x7f: {  	_ =	shalt  }
0x80: {  	_ =	shalt  }
0x81: {  	_ =	shalt  }
0x82: {  	_ =	shalt  }
0x83: {  	_ =	shalt  }
0x84: {  	_ =	shalt  }
0x85: {  	_ =	shalt  }
0x86: {  	_ =	shalt  }
0x87: {  	_ =	shalt  }
.Lfunc_end0:
.L_simem_size_0:
called_computation.3_lowered:
.L_overlay_start_0:
0x88: {  	s2 =	sld [smem:$0x3FD9]  }
0x89: {  	s3 =	sld [smem:$0x3FFE];
	_ =	sdelay $0x1  }
0x8a: {  	s1 =	srdreg.scid  }
0x8b: {  	s0 =	sand.u32 $0x1, s1  }
0x8c: {  	s17 =	sshll.u32 s0, $0xA;
	s2 =	sadd.s32 s3, s2  }
0x8d: {  	s2 =	sadd.s32 s2, s17  }
0x8e: {  	[smem:$0x3FC1] =	sst s2  }
0x8f: {  	_ = 	snop  }
0x90: {  	s2 =	sld [smem:$0x3FD0];
	(tm) =	ssettm $0x1  }
0x91: {  	s18 =	sld [smem:$0x3FFB];
	_ =	sdelay $0x3  }
0x92: {  	_ =	strace s18  }
0x93: {  	s3 =	sld [smem:$0x3FFC];
	_ =	sdelay $0x3  }
0x94: {  	_ =	strace s3  }
0x95: {  	s3 =	sld [smem:$0x3FFD];
	_ =	sdelay $0x3  }
0x96: {  	_ =	strace s3  }
0x97: {  	_ =	strace $0x8FFFFFFF  }
0x98: {  	s19 =	sld [smem:$0x3FDB];
	_ =	sdelay $0x1  }
0x99: {  	s4 =	simm.s32 $_scs_section_size  }
0x9a: {  	s5 =	simm.s32 $_size__tile_overlayer_lowered;
	s6 =	simm.s32 $_tile_overlayer_lowered  }
0x9b: {  	s22 =	simm.s32 $0x1BFF;
	s21 =	sshll.u32 s6, $0x1;
	s3 =	sadd.s32 s4, s19  }
0x9c: {  	s7 =	simm.s32 $0x0;
	s20 =	sshll.u32 s5, $0x1;
	s5 =	sadd.s32 s21, s3  }
0x9d: {  	[timem:s7], [sflag:s22] =	dma.local [hbm:s5], s20  }
0x9e: {  	_ =	swait.ge [sflag:s22], s20  }
0x9f: {  	s4 =	ssub.s32 $0x0, s20;
	[sflag:s22] =	ssyncset.done $0x0  }
0xa0: {  	[sflag:s22] =	ssyncadd.s32 s4;
	_ =	sdelay $0x1  }
0xa1: {  	s23 =	simm.s32 $0x1B8B  }
0xa2: {  	_ =	swait.ge [sflag:s23], $0x1  }
0xa3: {  	[sflag:s23] =	ssyncset.done $0x0  }
0xa4: {  	s25 =	simm.s32 $0x1B8E;
	s24 =	sld [smem:$0x3FFE];
	[sflag:s23] =	ssyncadd.s32 $0xFFFFFFFF  }
0xa5: {  	s26 =	simm.s32 $execute0_lowered;
	[smem:$0x3FD2] =	sst s25  }
0xa6: {  	s5 =	sshll.u32 s26, $0x1;
	_ =	strace $0x8000004F;
	[dreg:$0x1] =	wrdreg $0xFFFFFFFF  }
0xa7: {  	s28 =	simm.s32 $_size_execute0_lowered;
	s3 =	sadd.s32 s3, s5;
	[dreg:$0x0] =	wrdreg $0x0  }
0xa8: {  	s5 =	sshll.u32 s28, $0x1;
	[dreg:$0x2] =	wrdreg s3  }
0xa9: {  	[dreg:$0x3] =	wrdreg s5  }
0xaa: {  	[dreg:$0x4] =	wrdreg $0xC0  }
0xab: {  	_ =	task [dreg:s7], $0x5FFFF  }
0xac: {  	[dreg:$0x1] =	wrdreg $0xFFFFFFFF  }
0xad: {  	[dreg:$0x0] =	wrdreg $0x60  }
0xae: {  	[dreg:$0x2] =	wrdreg s24  }
0xaf: {  	[dreg:$0x3] =	wrdreg s2  }
0xb0: {  	[dreg:$0x4] =	wrdreg $0x9  }
0xb1: {  	_ =	task.clear_ibuf [dreg:s7], $0x5FFFF;
	_ =	strace $0x9000004F  }
0xb2: {  	s29 =	simm.s32 $0x9;
	_ =	strace $0x80000051  }
0xb3: {  	_ =	swait.ge [sflag:s29], $0x1  }
0xb4: {  	[sflag:s29] =	ssyncadd.s32 $0xFFFFFFFF  }
0xb5: {  	_ =	strace $0x90000051  }
0xb6: {  	_ =	sfence  }
0xb7: {  	s30 =	sld [smem:$0x0];
	_ =	sdelay $0x2  }
0xb8: {  	s31 =	sshll.u32 s1, $0xD;
	s1 =	sshrl.u32 s1, $0x2  }
0xb9: {  	s3 =	sand.u32 $0x4000, s31;
	s1 =	sadd.s32 s1, s30  }
0xba: {  	s0 =	sor.u32 s3, s0;
	s1 =	sshll.u32 s1, $0x11  }
0xbb: {  	s0 =	sor.u32 s1, s0  }
0xbc: {  	s0 =	sadd.s32 $0x8F2B, s0  }
0xbd: {  	[sflag:s0] =	ssyncadd.remote.s32 $0x1  }
0xbe: {  	_ =	sfence.sel $0xFFFF  }
0xbf: {  	[dreg:$0x0] =	wrdreg $0xFFFFFFFF;
	(pc) =	sbr.abs _section_cstart, $3  }
0xc0: {  	[dreg:$0x1] =	wrdreg $0xFFFFFFFF  }
0xc1: {  	_ =	task.clear_ibuf [dreg:s7], $0x2FFFF;
	_ =	strace $0x9FFFFFFF  }
0xc2: {  	(tm) =	ssettm $0x7FFFFFFF  }
0xc3: {  	_ =	shalt  }
tec
execute0_lowered:
.L_overlay_start_1:
0x0: {  	(tag) =	ssettag $0x1  }
0x1: {  	s1 =	srdreg.scid  }
0x2: {  	s0 =	stileid.u32;
	s26 =	sand.u32 $0x1, s1  }
0x3: {  	s30 =	sshll.u32 s0, $0xA;
	s2 =	sshll.u32 s26, $0x9  }
0x4: {  	s14 =	rddreg [dreg:$0x0];
	s12 =	sor.u32 s2, s30  }
0x5: {  	s5 =	rddreg [dreg:$0x1];
	s2 =	simm.s32 $0x0;
	s6 =	sshrl.u32 s12, $0x3  }
0x6: {  	s4 =	simm.s32 $0x3;
	[smem:$0x7FF] =	sst s2;
	s3 =	sadd.s32 s6, s14  }
0x7: {  	s1 =	rddreg [dreg:$0x2];
	_ =	strace $0x80000050;
	s3 =	sadd.s32 $0x2C400, s3  }
0x8: {  	[tilespmem:s2], [sflag:$0x3] =	stream.linear.gather [hbm4b:s3+s2], $0x200, $0x38;
	[tilespmem:$0x8400] =	vst v63  }
0x9: {  	_ =	swait.ge [sflag:s4], $0x200  }
0xa: {  	[sflag:s4] =	ssyncset.done $0x0  }
0xb: {  	s5 =	sadd.s32 s5, s6;
	s6 =	simm.s32 $0x200;
	[sflag:s4] =	ssyncadd.s32 $0xFFFFFE00  }
0xc: {  	[tilespmem:s6], [sflag:$0x3] =	stream.linear.gather [hbm4b:s5+s2], $0x200, $0x38;
	[tilespmem:$0x8400] =	vst v63  }
0xd: {  	_ =	swait.ge [sflag:s4], $0x200  }
0xe: {  	s8 =	simm.s32 $0x80;
	[sflag:s4] =	ssyncset.done $0x0  }
0xf: {  	s9 =	simm.s32 $0x400;
	s7 =	sadd.s32 $0x4400, s14;
	[sflag:s4] =	ssyncadd.s32 $0xFFFFFE00  }
0x10: {  	[tilespmem:s9], [sflag:$0x1] =	stream.indirect.gather [hbm4b:s7+s8], $0x80, s2, s8, $0xb8;
	[tilespmem:$0x8400] =	vst v63  }
0x11: {  	s10 =	simm.s32 $0x4400;
	s11 =	simm.s32 $0x1  }
0x12: {  	[tilespmem:s10], [sflag:$0x2] =	stream.indirect.gather [hbm4b:s7+s8], $0x80, s6, s8, $0xb8;
	[tilespmem:$0x8400] =	vst v63  }
0x13: {  	_ =	swait.ge [sflag:s11], $0x4000  }
0x14: {  	s24 =	sadd.s32 $0x2CC00, s14;
	s28 =	sshll.u32 s12, $0x4;
	[sflag:s11] =	ssyncset.done $0x0  }
0x15: {  	s12 =	simm.s32 $0x2;
	s13 =	sadd.s32 s24, s28;
	[sflag:s11] =	ssyncadd.s32 $0xFFFFC000  }
0x16: {  	[hbm4b:s13+s2] =	stream.linear.scatter [tilespmem:s9], [sflag:$0x1], $0x4000, $0x38;
	[tilespmem:$0x8400] =	vst v63  }
0x17: {  	_ =	swait.ge [sflag:s12], $0x4000  }
0x18: {  	s25 =	sadd.s32 $0x6CC00, s14;
	[sflag:s12] =	ssyncset.done $0x0  }
0x19: {  	s14 =	sadd.s32 s25, s28;
	[sflag:s12] =	ssyncadd.s32 $0xFFFFC000  }
0x1a: {  	[hbm4b:s14+s2] =	stream.linear.scatter [tilespmem:s10], [sflag:$0x2], $0x4000, $0x38;
	[tilespmem:$0x8400] =	vst v63  }
0x1b: {  	_ =	swait.ge [sflag:s11], $0x4000  }
0x1c: {  	[sflag:s11] =	ssyncset.done $0x0  }
0x1d: {  	[sflag:s11] =	ssyncadd.s32 $0xFFFFC000  }
0x1e: {  	_ =	swait.ge [sflag:s12], $0x4000  }
0x1f: {  	[sflag:s12] =	ssyncset.done $0x0  }
0x20: {  	[sflag:s12] =	ssyncadd.s32 $0xFFFFC000  }
0x21: {  	[tilespmem:s9], [sflag:$0x1] =	stream.indirect.gather [hbm4b:s7+s8], $0x80, s8, s8, $0xb8;
	[tilespmem:$0x8400] =	vst v63  }
0x22: {  	s15 =	simm.s32 $0x280  }
0x23: {  	[tilespmem:s10], [sflag:$0x2] =	stream.indirect.gather [hbm4b:s7+s8], $0x80, s15, s8, $0xb8;
	[tilespmem:$0x8400] =	vst v63  }
0x24: {  	_ =	swait.ge [sflag:s11], $0x4000  }
0x25: {  	s17 =	sor.u32 $0x800, s28;
	[sflag:s11] =	ssyncset.done $0x0  }
0x26: {  	s16 =	sadd.s32 s24, s17;
	[sflag:s11] =	ssyncadd.s32 $0xFFFFC000  }
0x27: {  	[hbm4b:s16+s2] =	stream.linear.scatter [tilespmem:s9], [sflag:$0x1], $0x4000, $0x38;
	[tilespmem:$0x8400] =	vst v63  }
0x28: {  	_ =	swait.ge [sflag:s12], $0x4000  }
0x29: {  	[sflag:s12] =	ssyncset.done $0x0  }
0x2a: {  	s17 =	sadd.s32 s25, s17;
	[sflag:s12] =	ssyncadd.s32 $0xFFFFC000  }
0x2b: {  	[hbm4b:s17+s2] =	stream.linear.scatter [tilespmem:s10], [sflag:$0x2], $0x4000, $0x38;
	[tilespmem:$0x8400] =	vst v63  }
0x2c: {  	_ =	swait.ge [sflag:s11], $0x4000  }
0x2d: {  	[sflag:s11] =	ssyncset.done $0x0  }
0x2e: {  	[sflag:s11] =	ssyncadd.s32 $0xFFFFC000  }
0x2f: {  	_ =	swait.ge [sflag:s12], $0x4000  }
0x30: {  	[sflag:s12] =	ssyncset.done $0x0  }
0x31: {  	s18 =	simm.s32 $0x100;
	[sflag:s12] =	ssyncadd.s32 $0xFFFFC000  }
0x32: {  	[tilespmem:s9], [sflag:$0x1] =	stream.indirect.gather [hbm4b:s7+s8], $0x80, s18, s8, $0xb8;
	[tilespmem:$0x8400] =	vst v63  }
0x33: {  	s19 =	simm.s32 $0x300  }
0x34: {  	[tilespmem:s10], [sflag:$0x2] =	stream.indirect.gather [hbm4b:s7+s8], $0x80, s19, s8, $0xb8;
	[tilespmem:$0x8400] =	vst v63  }
0x35: {  	_ =	swait.ge [sflag:s11], $0x4000  }
0x36: {  	s21 =	sor.u32 $0x1000, s28;
	[sflag:s11] =	ssyncset.done $0x0  }
0x37: {  	s20 =	sadd.s32 s24, s21;
	[sflag:s11] =	ssyncadd.s32 $0xFFFFC000  }
0x38: {  	[hbm4b:s20+s2] =	stream.linear.scatter [tilespmem:s9], [sflag:$0x1], $0x4000, $0x38;
	[tilespmem:$0x8400] =	vst v63  }
0x39: {  	_ =	swait.ge [sflag:s12], $0x4000  }
0x3a: {  	[sflag:s12] =	ssyncset.done $0x0  }
0x3b: {  	s21 =	sadd.s32 s25, s21;
	[sflag:s12] =	ssyncadd.s32 $0xFFFFC000  }
0x3c: {  	[hbm4b:s21+s2] =	stream.linear.scatter [tilespmem:s10], [sflag:$0x2], $0x4000, $0x38;
	[tilespmem:$0x8400] =	vst v63  }
0x3d: {  	_ =	swait.ge [sflag:s11], $0x4000  }
0x3e: {  	[sflag:s11] =	ssyncset.done $0x0  }
0x3f: {  	[sflag:s11] =	ssyncadd.s32 $0xFFFFC000  }
0x40: {  	_ =	swait.ge [sflag:s12], $0x4000  }
0x41: {  	[sflag:s12] =	ssyncset.done $0x0  }
0x42: {  	s22 =	simm.s32 $0x180;
	[sflag:s12] =	ssyncadd.s32 $0xFFFFC000  }
0x43: {  	[tilespmem:s9], [sflag:$0x1] =	stream.indirect.gather [hbm4b:s7+s8], $0x80, s22, s8, $0xb8;
	[tilespmem:$0x8400] =	vst v63  }
0x44: {  	s23 =	simm.s32 $0x380  }
0x45: {  	[tilespmem:s10], [sflag:$0x2] =	stream.indirect.gather [hbm4b:s7+s8], $0x80, s23, s8, $0xb8;
	[tilespmem:$0x8400] =	vst v63  }
0x46: {  	_ =	swait.ge [sflag:s11], $0x4000  }
0x47: {  	s26 =	ssub.s32 $0x2, s26;
	s28 =	sor.u32 $0x1800, s28;
	[sflag:s11] =	ssyncset.done $0x0  }
0x48: {  	s31 =	sshrl.u32 s26, $0x1;
	s24 =	sadd.s32 s24, s28;
	[sflag:s11] =	ssyncadd.s32 $0xFFFFC000  }
0x49: {  	[hbm4b:s24+s2] =	stream.linear.scatter [tilespmem:s9], [sflag:$0x1], $0x4000, $0x38;
	[tilespmem:$0x8400] =	vst v63  }
0x4a: {  	s26 =	ssub.s32 s26, s31;
	_ =	swait.ge [sflag:s12], $0x4000  }
0x4b: {  	s26 =	smax.u32 s26, $0x1;
	[sflag:s12] =	ssyncset.done $0x0  }
0x4c: {  	s25 =	sadd.s32 s25, s28;
	p0 =	sne.s32 s26, $0x1;
	[sflag:s12] =	ssyncadd.s32 $0xFFFFC000  }
0x4d: {  	[hbm4b:s25+s2] =	stream.linear.scatter [tilespmem:s10], [sflag:$0x2], $0x4000, $0x38;
	[tilespmem:$0x8400] =	vst v63  }
.Ltmp0:
0x4e: {  	_ =	swait.ge [sflag:s11], $0x4000;
	(pc) =	sbr.rel @!p0 .LBB2_2-.Ltmp0, $4  }
0x4f: {  	[sflag:s11] =	ssyncset.done $0x0  }
0x50: {  	[sflag:s11] =	ssyncadd.s32 $0xFFFFC000  }
0x51: {  	_ =	swait.ge [sflag:s12], $0x4000  }
0x52: {  	s26 =	sadd.s32 $0xFFFFFFFF, s26;
	[sflag:s12] =	ssyncset.done $0x0  }
.LBB2_1:
0x53: {  	p0 =	sne.s32 s26, $0x1;
	s26 =	sadd.s32 $0xFFFFFFFF, s26;
	[sflag:s12] =	ssyncadd.s32 $0xFFFFC000  }
0x54: {  	[tilespmem:s2], [sflag:$0x3] =	stream.linear.gather [hbm4b:s3+s2], $0x200, $0x38;
	[tilespmem:$0x8400] =	vst v63  }
0x55: {  	_ =	swait.ge [sflag:s4], $0x200  }
0x56: {  	[sflag:s4] =	ssyncset.done $0x0  }
0x57: {  	[sflag:s4] =	ssyncadd.s32 $0xFFFFFE00  }
0x58: {  	[tilespmem:s6], [sflag:$0x3] =	stream.linear.gather [hbm4b:s5+s2], $0x200, $0x38;
	[tilespmem:$0x8400] =	vst v63  }
0x59: {  	_ =	swait.ge [sflag:s4], $0x200  }
0x5a: {  	[sflag:s4] =	ssyncset.done $0x0  }
0x5b: {  	[sflag:s4] =	ssyncadd.s32 $0xFFFFFE00  }
0x5c: {  	[tilespmem:s9], [sflag:$0x1] =	stream.indirect.gather [hbm4b:s7+s8], $0x80, s2, s8, $0xb8;
	[tilespmem:$0x8400] =	vst v63  }
0x5d: {  	_ = 	snop  }
0x5e: {  	[tilespmem:s10], [sflag:$0x2] =	stream.indirect.gather [hbm4b:s7+s8], $0x80, s6, s8, $0xb8;
	[tilespmem:$0x8400] =	vst v63  }
0x5f: {  	_ =	swait.ge [sflag:s11], $0x4000  }
0x60: {  	[sflag:s11] =	ssyncset.done $0x0  }
0x61: {  	[sflag:s11] =	ssyncadd.s32 $0xFFFFC000  }
0x62: {  	[hbm4b:s13+s2] =	stream.linear.scatter [tilespmem:s9], [sflag:$0x1], $0x4000, $0x38;
	[tilespmem:$0x8400] =	vst v63  }
0x63: {  	_ =	swait.ge [sflag:s12], $0x4000  }
0x64: {  	[sflag:s12] =	ssyncset.done $0x0  }
0x65: {  	[sflag:s12] =	ssyncadd.s32 $0xFFFFC000  }
0x66: {  	[hbm4b:s14+s2] =	stream.linear.scatter [tilespmem:s10], [sflag:$0x2], $0x4000, $0x38;
	[tilespmem:$0x8400] =	vst v63  }
0x67: {  	_ =	swait.ge [sflag:s11], $0x4000  }
0x68: {  	[sflag:s11] =	ssyncset.done $0x0  }
0x69: {  	[sflag:s11] =	ssyncadd.s32 $0xFFFFC000  }
0x6a: {  	_ =	swait.ge [sflag:s12], $0x4000  }
0x6b: {  	[sflag:s12] =	ssyncset.done $0x0  }
0x6c: {  	[sflag:s12] =	ssyncadd.s32 $0xFFFFC000  }
0x6d: {  	[tilespmem:s9], [sflag:$0x1] =	stream.indirect.gather [hbm4b:s7+s8], $0x80, s8, s8, $0xb8;
	[tilespmem:$0x8400] =	vst v63  }
0x6e: {  	_ = 	snop  }
0x6f: {  	[tilespmem:s10], [sflag:$0x2] =	stream.indirect.gather [hbm4b:s7+s8], $0x80, s15, s8, $0xb8;
	[tilespmem:$0x8400] =	vst v63  }
0x70: {  	_ =	swait.ge [sflag:s11], $0x4000  }
0x71: {  	[sflag:s11] =	ssyncset.done $0x0  }
0x72: {  	[sflag:s11] =	ssyncadd.s32 $0xFFFFC000  }
0x73: {  	[hbm4b:s16+s2] =	stream.linear.scatter [tilespmem:s9], [sflag:$0x1], $0x4000, $0x38;
	[tilespmem:$0x8400] =	vst v63  }
0x74: {  	_ =	swait.ge [sflag:s12], $0x4000  }
0x75: {  	[sflag:s12] =	ssyncset.done $0x0  }
0x76: {  	[sflag:s12] =	ssyncadd.s32 $0xFFFFC000  }
0x77: {  	[hbm4b:s17+s2] =	stream.linear.scatter [tilespmem:s10], [sflag:$0x2], $0x4000, $0x38;
	[tilespmem:$0x8400] =	vst v63  }
0x78: {  	_ =	swait.ge [sflag:s11], $0x4000  }
0x79: {  	[sflag:s11] =	ssyncset.done $0x0  }
0x7a: {  	[sflag:s11] =	ssyncadd.s32 $0xFFFFC000  }
0x7b: {  	_ =	swait.ge [sflag:s12], $0x4000  }
0x7c: {  	[sflag:s12] =	ssyncset.done $0x0  }
0x7d: {  	[sflag:s12] =	ssyncadd.s32 $0xFFFFC000  }
0x7e: {  	[tilespmem:s9], [sflag:$0x1] =	stream.indirect.gather [hbm4b:s7+s8], $0x80, s18, s8, $0xb8;
	[tilespmem:$0x8400] =	vst v63  }
0x7f: {  	_ = 	snop  }
0x80: {  	[tilespmem:s10], [sflag:$0x2] =	stream.indirect.gather [hbm4b:s7+s8], $0x80, s19, s8, $0xb8;
	[tilespmem:$0x8400] =	vst v63  }
0x81: {  	_ =	swait.ge [sflag:s11], $0x4000  }
0x82: {  	[sflag:s11] =	ssyncset.done $0x0  }
0x83: {  	[sflag:s11] =	ssyncadd.s32 $0xFFFFC000  }
0x84: {  	[hbm4b:s20+s2] =	stream.linear.scatter [tilespmem:s9], [sflag:$0x1], $0x4000, $0x38;
	[tilespmem:$0x8400] =	vst v63  }
0x85: {  	_ =	swait.ge [sflag:s12], $0x4000  }
0x86: {  	[sflag:s12] =	ssyncset.done $0x0  }
0x87: {  	[sflag:s12] =	ssyncadd.s32 $0xFFFFC000  }
0x88: {  	[hbm4b:s21+s2] =	stream.linear.scatter [tilespmem:s10], [sflag:$0x2], $0x4000, $0x38;
	[tilespmem:$0x8400] =	vst v63  }
0x89: {  	_ =	swait.ge [sflag:s11], $0x4000  }
0x8a: {  	[sflag:s11] =	ssyncset.done $0x0  }
0x8b: {  	[sflag:s11] =	ssyncadd.s32 $0xFFFFC000  }
0x8c: {  	_ =	swait.ge [sflag:s12], $0x4000  }
0x8d: {  	[sflag:s12] =	ssyncset.done $0x0  }
0x8e: {  	[sflag:s12] =	ssyncadd.s32 $0xFFFFC000  }
0x8f: {  	[tilespmem:s9], [sflag:$0x1] =	stream.indirect.gather [hbm4b:s7+s8], $0x80, s22, s8, $0xb8;
	[tilespmem:$0x8400] =	vst v63  }
0x90: {  	_ = 	snop  }
0x91: {  	[tilespmem:s10], [sflag:$0x2] =	stream.indirect.gather [hbm4b:s7+s8], $0x80, s23, s8, $0xb8;
	[tilespmem:$0x8400] =	vst v63  }
0x92: {  	_ =	swait.ge [sflag:s11], $0x4000  }
0x93: {  	[sflag:s11] =	ssyncset.done $0x0  }
0x94: {  	[sflag:s11] =	ssyncadd.s32 $0xFFFFC000  }
0x95: {  	[hbm4b:s24+s2] =	stream.linear.scatter [tilespmem:s9], [sflag:$0x1], $0x4000, $0x38;
	[tilespmem:$0x8400] =	vst v63  }
0x96: {  	_ =	swait.ge [sflag:s12], $0x4000  }
0x97: {  	[sflag:s12] =	ssyncset.done $0x0  }
0x98: {  	[sflag:s12] =	ssyncadd.s32 $0xFFFFC000  }
0x99: {  	[hbm4b:s25+s2] =	stream.linear.scatter [tilespmem:s10], [sflag:$0x2], $0x4000, $0x38;
	[tilespmem:$0x8400] =	vst v63  }
.Ltmp1:
0x9a: {  	_ =	swait.ge [sflag:s11], $0x4000;
	(pc) =	sbr.rel @p0 .LBB2_1-.Ltmp1, $4  }
0x9b: {  	[sflag:s11] =	ssyncset.done $0x0  }
0x9c: {  	[sflag:s11] =	ssyncadd.s32 $0xFFFFC000  }
0x9d: {  	_ =	swait.ge [sflag:s12], $0x4000  }
0x9e: {  	[sflag:s12] =	ssyncset.done $0x0  }
.LBB2_2:
0x9f: {  	[sflag:s12] =	ssyncadd.s32 $0xFFFFC000  }
0xa0: {  	_ =	sfence.sel $0x180000  }
0xa1: {  	[bflag:$0x0] =	sbarrier.arrive $0xFFFF  }
0xa2: {  	p0 =	sne.s32 s0, $0x0;
	_ =	strace $0x90000050  }
0xa3: {  	s0 =	sadd.s32 @!p0 $0x100000, s1;
	[bflag:$0x2] =	sbarrier.arrive $0xFFFF  }
0xa4: {  	[sflag:s0] =	ssyncadd.tile.s32 @!p0 $0x1;
	_ =	shalt  }
.Lfunc_end2:
_tile_overlayer_lowered:
.L_overlay_start_2:
0xa5: {  	(tag) =	ssettag $0x2  }
0xa6: {  	s0 =	rddreg [dreg:$0x0];
	s2 =	stileid.u32  }
0xa7: {  	s1 =	rddreg [dreg:$0x1];
	p0 =	sne.s32 s2, $0x0  }
0xa8: {  	s3 =	rddreg [dreg:$0x2];
	[bflag:$0x3] =	sbarrier.arrive $0xFFFF;
	s2 =	simm.s32 @!p0 $0x1C03  }
0xa9: {  	[timem:s3], [sflag:s2] =	dma.local @!p0 [hbm:s0], s1  }
0xaa: {  	s0 =	simm.s32 @!p0 $0x3  }
0xab: {  	_ =	swait.ge @!p0 [sflag:s0], s1  }
0xac: {  	s1 =	ssub.s32 @!p0 $0x0, s1;
	[sflag:s0] =	ssyncset.done @!p0 $0x0  }
0xad: {  	[sflag:s0] =	ssyncadd.s32 @!p0 s1  }
0xae: {  	[bflag:$0x3] =	sbarrier.arrive $0xFFFF  }
0xaf: {  	_ =	shalt  }

</sc_bundles>
